<compile_context>
chip_gen: v7x
topology: tpu7x:2x2x1
jax: 0.10.2.dev20260603
libtpu: 0.0.44.dev20260713+nightly
codegen_flags: <defaults>
</compile_context>

<pallas_src>
import functools

import jax
import jax.numpy as jnp
from jax import lax
from jax.experimental import pallas as pl
from jax.experimental.pallas import tpu as pltpu
from jax.experimental.pallas import tpu_sc as plsc


def _vq_argmin_kernel(z_ref, w_ref, idx_ref, loss_ref, cl_ref, el_ref):
    zb = z_ref[0]
    W = w_ref[...]
    D, N = zb.shape
    K = W.shape[1]

    wt = W.T

    S2 = jax.lax.dot_general(wt * jnp.float32(-2.0), zb,
                             (((1,), (0,)), ((), ())),
                             preferred_element_type=jnp.float32)
    zsq = jnp.sum(zb * zb, axis=0, keepdims=True)
    wsq = jnp.sum(wt * wt, axis=1, keepdims=True)
    d = (zsq + wsq) + S2

    m = jnp.min(d, axis=0, keepdims=True)
    iota_col = jax.lax.broadcasted_iota(jnp.int32, (K, 1), 0).astype(
        jnp.float32)
    closest = jnp.min(jnp.where(d == m, iota_col, jnp.float32(K)),
                      axis=0)

    idx_ref[0, 0] = closest.astype(jnp.int32)

    c = m[0] * jnp.float32(1.0 / D)
    cl_ref[0, 0] = c
    el_ref[0, 0] = c
    loss_ref[0, 0] = c * jnp.float32(0.25) + c


def _tc_argmin(z3, W):
    B, D, N = z3.shape
    K = W.shape[1]
    f32 = jnp.float32
    return pl.pallas_call(
        _vq_argmin_kernel,
        grid=(B,),
        in_specs=[
            pl.BlockSpec((1, D, N), lambda b: (b, 0, 0)),
            pl.BlockSpec((D, K), lambda b: (0, 0)),
        ],
        out_specs=[
            pl.BlockSpec((1, 1, N), lambda b: (b, 0, 0)),
            pl.BlockSpec((1, 1, N), lambda b: (b, 0, 0)),
            pl.BlockSpec((1, 1, N), lambda b: (b, 0, 0)),
            pl.BlockSpec((1, 1, N), lambda b: (b, 0, 0)),
        ],
        out_shape=[
            jax.ShapeDtypeStruct((B, 1, N), jnp.int32),
            jax.ShapeDtypeStruct((B, 1, N), f32),
            jax.ShapeDtypeStruct((B, 1, N), f32),
            jax.ShapeDtypeStruct((B, 1, N), f32),
        ],
        compiler_params=pltpu.CompilerParams(
            dimension_semantics=("parallel",)),
    )(z3, W)


def _sc_gather(w_flat, idx_flat, B, D, N, K):
    info = plsc.get_sparse_core_info()
    NC, NS, L = info.num_cores, info.num_subcores, info.num_lanes
    NW = NC * NS
    WPB = NW // B
    CH = D // WPB
    U = 2

    mesh = plsc.VectorSubcoreMesh(core_axis_name="c", subcore_axis_name="s")

    @functools.partial(
        pl.kernel, mesh=mesh,
        out_type=jax.ShapeDtypeStruct((B * D * N,), jnp.float32),
        scratch_types=[
            pltpu.VMEM((CH * K,), jnp.float32),
            pltpu.VMEM((N,), jnp.int32),
            pltpu.VMEM((CH * N,), jnp.float32),
            pltpu.SemaphoreType.DMA,
            pltpu.SemaphoreType.DMA,
        ],
        compiler_params=pltpu.CompilerParams(needs_layout_passes=False),
    )
    def k(w_hbm, idx_hbm, out_hbm, wv, idxv, outv, sem1, sem2):
        wid = lax.axis_index("s") * NC + lax.axis_index("c")
        b = wid // WPB
        d0 = (wid % WPB) * CH
        cp1 = pltpu.async_copy(idx_hbm.at[pl.ds(b * N, N)], idxv, sem1)
        cp2 = pltpu.async_copy(w_hbm.at[pl.ds(d0 * K, CH * K)], wv, sem2)
        cp1.wait()
        cp2.wait()

        @plsc.parallel_loop(0, N // L, unroll=U)
        def _(j):
            off = j * L
            iv = idxv[pl.ds(off, L)]
            for dd in range(CH):
                outv[pl.ds(dd * N + off, L)] = plsc.load_gather(
                    wv, [iv + jnp.int32(dd * K)])

        pltpu.sync_copy(outv, out_hbm.at[pl.ds((b * D + d0) * N, CH * N)])

    return k(w_flat, idx_flat)


def kernel(z, W):
    B, D, H, Wd = z.shape
    N = H * Wd
    K = W.shape[1]
    z3 = z.reshape(B, D, N)
    closest, loss, cl, el = _tc_argmin(z3, W)
    qflat = _sc_gather(W.reshape(D * K), closest.reshape(B * N), B, D, N, K)
    shp = (B, H, Wd)
    return (qflat.reshape(z.shape), loss.reshape(shp), cl.reshape(shp),
            el.reshape(shp))

# --- scband reference (transcript-rebuilt; emitter-appended) ---
"""Pipeline reference for scband-quantizer-49297634623863 (READ-ONLY COPY).

The authoritative reference and input builder live on the scoring server;
editing this copy changes nothing except your own understanding.
"""

import jax, jax.numpy as jnp
import numpy as np


def setup_inputs(seed: int = 0):
    key = jax.random.key(seed)
    k1, k2 = jax.random.split(key)
    z = jax.random.normal(k1, (16, 64, 32, 32), dtype=jnp.float32)
    # nn.Embedding(prod(embedding_dim)=64, num_embeddings=1024) -> weight [64, 1024]
    W = jax.random.uniform(k2, (64, 1024), dtype=jnp.float32, minval=-1.0 / 1024, maxval=1.0 / 1024)
    return {"z": z, "W": W}


def reference(z, W):
    beta = 0.25
    if z.ndim > 2:
        zp = jnp.transpose(z, (0, 2, 3, 1))
    else:
        zp = z
    D = W.shape[0]
    zf = zp.reshape(-1, D)
    distances = (zf ** 2).sum(axis=-1, keepdims=True) + (W.T ** 2).sum(axis=-1) - 2.0 * (zf @ W)
    closest = jnp.argmin(distances, axis=-1)
    # one_hot @ W.T is a row-gather from W.T ([K, D])
    quantized = jnp.take(W.T, closest, axis=0).reshape(zp.shape)
    commitment_loss = ((jax.lax.stop_gradient(quantized) - zp) ** 2).mean(axis=-1)
    embedding_loss = ((quantized - jax.lax.stop_gradient(zp)) ** 2).mean(axis=-1)
    q_ste = zp + jax.lax.stop_gradient(quantized - zp)
    loss = commitment_loss * beta + embedding_loss
    if z.ndim > 2:
        q_ste = jnp.transpose(q_ste, (0, 3, 1, 2))
    return q_ste, loss, commitment_loss, embedding_loss

if __name__ == "__main__":
    import jax
    _d = setup_inputs()
    print(jax.jit(kernel)(*tuple(_d.values())))

</pallas_src>

<mosaic_0001>
#map = affine_map<(d0, d1) -> (0)>
module attributes {stable_mosaic.version = 14 : i64} {
  func.func @k(%arg0: i32, %arg1: i32, %arg2: memref<65536xf32, #tpu.memory_space<hbm>>, %arg3: memref<16384xi32, #tpu.memory_space<hbm>>, %arg4: memref<1048576xf32, #tpu.memory_space<hbm>>, %arg5: memref<32768xf32, #tpu.memory_space<vmem>>, %arg6: memref<1024xi32, #tpu.memory_space<vmem>>, %arg7: memref<32768xf32, #tpu.memory_space<vmem>>, %arg8: memref<!tpu.dma_semaphore, #tpu.memory_space<semaphore_mem>>, %arg9: memref<!tpu.dma_semaphore, #tpu.memory_space<semaphore_mem>>) attributes {dimension_semantics = [#tpu.dimension_semantics<core_parallel>, #tpu.dimension_semantics<subcore_parallel>], iteration_bounds = array<i64: 2, 16>, scalar_prefetch = 0 : i64, scratch_operands = 5 : i64, tpu.core_type = #tpu.core_type<sc_vector_subcore>, window_params = [{transform_indices = #map}, {transform_indices = #map}, {transform_indices = #map}]} {
    %mul3A = arith.constant 2 : i32
    %mul3A_0 = arith.muli %arg1, %mul3A : i32
    %add3A = arith.addi %mul3A_0, %arg0 : i32
    %jit3A = arith.constant 2 : i32
    %div3A = arith.divsi %add3A, %jit3A : i32
    %sign3A = arith.constant 0 : i32
    %sign3A_1 = arith.cmpi sgt, %add3A, %sign3A : i32
    %sign3A_2 = arith.extui %sign3A_1 : i1 to i32
    %sign3A_3 = arith.constant 0 : i32
    %sign3A_4 = arith.cmpi slt, %add3A, %sign3A_3 : i32
    %sign3A_5 = arith.extui %sign3A_4 : i1 to i32
    %sign3A_6 = arith.subi %sign3A_2, %sign3A_5 : i32
    %sign3A_7 = arith.constant 0 : i32
    %sign3A_8 = arith.cmpi sgt, %jit3A, %sign3A_7 : i32
    %sign3A_9 = arith.extui %sign3A_8 : i1 to i32
    %sign3A_10 = arith.constant 0 : i32
    %sign3A_11 = arith.cmpi slt, %jit3A, %sign3A_10 : i32
    %sign3A_12 = arith.extui %sign3A_11 : i1 to i32
    %sign3A_13 = arith.subi %sign3A_9, %sign3A_12 : i32
    %ne3A = arith.cmpi ne, %sign3A_6, %sign3A_13 : i32
    %rem3A = arith.remsi %add3A, %jit3A : i32
    %ne3A_14 = arith.constant 0 : i32
    %ne3A_15 = arith.cmpi ne, %rem3A, %ne3A_14 : i32
    %and3A = arith.andi %ne3A, %ne3A_15 : i1
    %sub3A = arith.constant 1 : i32
    %sub3A_16 = arith.subi %div3A, %sub3A : i32
    %select_n3A = arith.select %and3A, %sub3A_16, %div3A : i32
    %jit3A_17 = arith.constant 2 : i32
    %eq3A = arith.constant 0 : i32
    %eq3A_18 = arith.cmpi eq, %jit3A_17, %eq3A : i32
    %jit3A_19 = arith.constant 1 : i32
    %select_n3A_20 = arith.select %eq3A_18, %jit3A_19, %jit3A_17 : i32
    %rem3A_21 = arith.remsi %add3A, %select_n3A_20 : i32
    %ne3A_22 = arith.constant 0 : i32
    %ne3A_23 = arith.cmpi ne, %rem3A_21, %ne3A_22 : i32
    %lt3A = arith.constant 0 : i32
    %lt3A_24 = arith.cmpi slt, %rem3A_21, %lt3A : i32
    %lt3A_25 = arith.constant 0 : i32
    %lt3A_26 = arith.cmpi slt, %select_n3A_20, %lt3A_25 : i32
    %ne3A_27 = arith.xori %lt3A_24, %lt3A_26 : i1
    %and3A_28 = arith.andi %ne3A_27, %ne3A_23 : i1
    %add3A_29 = arith.addi %rem3A_21, %select_n3A_20 : i32
    %select_n3A_30 = arith.select %and3A_28, %add3A_29, %rem3A_21 : i32
    %mul3A_31 = arith.constant 32 : i32
    %mul3A_32 = arith.muli %select_n3A_30, %mul3A_31 : i32
    %mul3A_33 = arith.constant 1024 : i32
    %mul3A_34 = arith.muli %select_n3A, %mul3A_33 : i32
    %dma_start3A = tpu.memref_slice %arg3[%mul3A_34] : memref<16384xi32, #tpu.memory_space<hbm>> -> memref<1024xi32, #tpu.memory_space<hbm>>
    %dma_start3A_35 = tpu.memref_slice %arg3[%mul3A_34] : memref<16384xi32, #tpu.memory_space<hbm>> -> memref<1024xi32, #tpu.memory_space<hbm>>
    tpu.enqueue_dma source(%dma_start3A_35 : memref<1024xi32, #tpu.memory_space<hbm>>) target(%arg6 : memref<1024xi32, #tpu.memory_space<vmem>>) target_semaphore(%arg8 : memref<!tpu.dma_semaphore, #tpu.memory_space<semaphore_mem>>)
    %mul3A_36 = arith.constant 1024 : i32
    %mul3A_37 = arith.muli %mul3A_32, %mul3A_36 : i32
    %dma_start3A_38 = tpu.memref_slice %arg2[%mul3A_37] : memref<65536xf32, #tpu.memory_space<hbm>> -> memref<32768xf32, #tpu.memory_space<hbm>>
    %dma_start3A_39 = tpu.memref_slice %arg2[%mul3A_37] : memref<65536xf32, #tpu.memory_space<hbm>> -> memref<32768xf32, #tpu.memory_space<hbm>>
    tpu.enqueue_dma source(%dma_start3A_39 : memref<32768xf32, #tpu.memory_space<hbm>>) target(%arg5 : memref<32768xf32, #tpu.memory_space<vmem>>) target_semaphore(%arg9 : memref<!tpu.dma_semaphore, #tpu.memory_space<semaphore_mem>>)
    %dma_wait3A = tpu.memref_slice %arg3[%mul3A_34] : memref<16384xi32, #tpu.memory_space<hbm>> -> memref<1024xi32, #tpu.memory_space<hbm>>
    %dma_wait3A_40 = tpu.memref_slice %arg3[%mul3A_34] : memref<16384xi32, #tpu.memory_space<hbm>> -> memref<1024xi32, #tpu.memory_space<hbm>>
    tpu.wait_dma2 semaphore(%arg8 : memref<!tpu.dma_semaphore, #tpu.memory_space<semaphore_mem>>) src(%dma_wait3A_40 : memref<1024xi32, #tpu.memory_space<hbm>>) dst(%arg6 : memref<1024xi32, #tpu.memory_space<vmem>>)
    %dma_wait3A_41 = tpu.memref_slice %arg2[%mul3A_37] : memref<65536xf32, #tpu.memory_space<hbm>> -> memref<32768xf32, #tpu.memory_space<hbm>>
    %dma_wait3A_42 = tpu.memref_slice %arg2[%mul3A_37] : memref<65536xf32, #tpu.memory_space<hbm>> -> memref<32768xf32, #tpu.memory_space<hbm>>
    tpu.wait_dma2 semaphore(%arg9 : memref<!tpu.dma_semaphore, #tpu.memory_space<semaphore_mem>>) src(%dma_wait3A_42 : memref<32768xf32, #tpu.memory_space<hbm>>) dst(%arg5 : memref<32768xf32, #tpu.memory_space<vmem>>)
    %parallel_loop3A = arith.constant 0 : i32
    %parallel_loop3A_43 = arith.constant 64 : i32
    %parallel_loop3A_44 = arith.constant 1 : i32
    scf.for %parallel_loop3A_50 = %parallel_loop3A to %parallel_loop3A_43 step %parallel_loop3A_44  : i32 {
      %parallel_loop3A_51 = arith.constant 16 : i32
      %parallel_loop3A_52 = arith.muli %parallel_loop3A_50, %parallel_loop3A_51 : i32
      %parallel_loop3A_53 = arith.index_cast %parallel_loop3A_52 : i32 to index
      %parallel_loop3A_54 = tpu.vector_load %arg6[%parallel_loop3A_53] {strides = array<i32>} : memref<1024xi32, #tpu.memory_space<vmem>>, vector<16xi32>,
      %parallel_loop3A_55 = arith.constant 0 : i32
      %parallel_loop3A_56 = vector.broadcast %parallel_loop3A_55 : i32 to vector<16xi32>
      %parallel_loop3A_57 = arith.addi %parallel_loop3A_54, %parallel_loop3A_56 : vector<16xi32>
      %parallel_loop3A_58 = tpu.vector_load_idx %arg5[%parallel_loop3A_57] : memref<32768xf32, #tpu.memory_space<vmem>>[vector<16xi32>], vector<16xf32>,
      %parallel_loop3A_59 = arith.constant 0 : i32
      %parallel_loop3A_60 = arith.addi %parallel_loop3A_59, %parallel_loop3A_52 : i32
      %parallel_loop3A_61 = arith.index_cast %parallel_loop3A_60 : i32 to index
      %parallel_loop3A_62 = tpu.vector_load %arg7[%parallel_loop3A_61] {strides = array<i32>} : memref<32768xf32, #tpu.memory_space<vmem>>, vector<16xf32>,
      tpu.vector_store %arg7[%parallel_loop3A_61], %parallel_loop3A_58 {strides = array<i32>} : memref<32768xf32, #tpu.memory_space<vmem>>, vector<16xf32>,
      %parallel_loop3A_63 = arith.constant 1024 : i32
      %parallel_loop3A_64 = vector.broadcast %parallel_loop3A_63 : i32 to vector<16xi32>
      %parallel_loop3A_65 = arith.addi %parallel_loop3A_54, %parallel_loop3A_64 : vector<16xi32>
      %parallel_loop3A_66 = tpu.vector_load_idx %arg5[%parallel_loop3A_65] : memref<32768xf32, #tpu.memory_space<vmem>>[vector<16xi32>], vector<16xf32>,
      %parallel_loop3A_67 = arith.constant 1024 : i32
      %parallel_loop3A_68 = arith.addi %parallel_loop3A_67, %parallel_loop3A_52 : i32
      %parallel_loop3A_69 = arith.index_cast %parallel_loop3A_68 : i32 to index
      %parallel_loop3A_70 = tpu.vector_load %arg7[%parallel_loop3A_69] {strides = array<i32>} : memref<32768xf32, #tpu.memory_space<vmem>>, vector<16xf32>,
      tpu.vector_store %arg7[%parallel_loop3A_69], %parallel_loop3A_66 {strides = array<i32>} : memref<32768xf32, #tpu.memory_space<vmem>>, vector<16xf32>,
      %parallel_loop3A_71 = arith.constant 2048 : i32
      %parallel_loop3A_72 = vector.broadcast %parallel_loop3A_71 : i32 to vector<16xi32>
      %parallel_loop3A_73 = arith.addi %parallel_loop3A_54, %parallel_loop3A_72 : vector<16xi32>
      %parallel_loop3A_74 = tpu.vector_load_idx %arg5[%parallel_loop3A_73] : memref<32768xf32, #tpu.memory_space<vmem>>[vector<16xi32>], vector<16xf32>,
      %parallel_loop3A_75 = arith.constant 2048 : i32
      %parallel_loop3A_76 = arith.addi %parallel_loop3A_75, %parallel_loop3A_52 : i32
      %parallel_loop3A_77 = arith.index_cast %parallel_loop3A_76 : i32 to index
      %parallel_loop3A_78 = tpu.vector_load %arg7[%parallel_loop3A_77] {strides = array<i32>} : memref<32768xf32, #tpu.memory_space<vmem>>, vector<16xf32>,
      tpu.vector_store %arg7[%parallel_loop3A_77], %parallel_loop3A_74 {strides = array<i32>} : memref<32768xf32, #tpu.memory_space<vmem>>, vector<16xf32>,
      %parallel_loop3A_79 = arith.constant 3072 : i32
      %parallel_loop3A_80 = vector.broadcast %parallel_loop3A_79 : i32 to vector<16xi32>
      %parallel_loop3A_81 = arith.addi %parallel_loop3A_54, %parallel_loop3A_80 : vector<16xi32>
      %parallel_loop3A_82 = tpu.vector_load_idx %arg5[%parallel_loop3A_81] : memref<32768xf32, #tpu.memory_space<vmem>>[vector<16xi32>], vector<16xf32>,
      %parallel_loop3A_83 = arith.constant 3072 : i32
      %parallel_loop3A_84 = arith.addi %parallel_loop3A_83, %parallel_loop3A_52 : i32
      %parallel_loop3A_85 = arith.index_cast %parallel_loop3A_84 : i32 to index
      %parallel_loop3A_86 = tpu.vector_load %arg7[%parallel_loop3A_85] {strides = array<i32>} : memref<32768xf32, #tpu.memory_space<vmem>>, vector<16xf32>,
      tpu.vector_store %arg7[%parallel_loop3A_85], %parallel_loop3A_82 {strides = array<i32>} : memref<32768xf32, #tpu.memory_space<vmem>>, vector<16xf32>,
      %parallel_loop3A_87 = arith.constant 4096 : i32
      %parallel_loop3A_88 = vector.broadcast %parallel_loop3A_87 : i32 to vector<16xi32>
      %parallel_loop3A_89 = arith.addi %parallel_loop3A_54, %parallel_loop3A_88 : vector<16xi32>
      %parallel_loop3A_90 = tpu.vector_load_idx %arg5[%parallel_loop3A_89] : memref<32768xf32, #tpu.memory_space<vmem>>[vector<16xi32>], vector<16xf32>,
      %parallel_loop3A_91 = arith.constant 4096 : i32
      %parallel_loop3A_92 = arith.addi %parallel_loop3A_91, %parallel_loop3A_52 : i32
      %parallel_loop3A_93 = arith.index_cast %parallel_loop3A_92 : i32 to index
      %parallel_loop3A_94 = tpu.vector_load %arg7[%parallel_loop3A_93] {strides = array<i32>} : memref<32768xf32, #tpu.memory_space<vmem>>, vector<16xf32>,
      tpu.vector_store %arg7[%parallel_loop3A_93], %parallel_loop3A_90 {strides = array<i32>} : memref<32768xf32, #tpu.memory_space<vmem>>, vector<16xf32>,
      %parallel_loop3A_95 = arith.constant 5120 : i32
      %parallel_loop3A_96 = vector.broadcast %parallel_loop3A_95 : i32 to vector<16xi32>
      %parallel_loop3A_97 = arith.addi %parallel_loop3A_54, %parallel_loop3A_96 : vector<16xi32>
      %parallel_loop3A_98 = tpu.vector_load_idx %arg5[%parallel_loop3A_97] : memref<32768xf32, #tpu.memory_space<vmem>>[vector<16xi32>], vector<16xf32>,
      %parallel_loop3A_99 = arith.constant 5120 : i32
      %parallel_loop3A_100 = arith.addi %parallel_loop3A_99, %parallel_loop3A_52 : i32
      %parallel_loop3A_101 = arith.index_cast %parallel_loop3A_100 : i32 to index
      %parallel_loop3A_102 = tpu.vector_load %arg7[%parallel_loop3A_101] {strides = array<i32>} : memref<32768xf32, #tpu.memory_space<vmem>>, vector<16xf32>,
      tpu.vector_store %arg7[%parallel_loop3A_101], %parallel_loop3A_98 {strides = array<i32>} : memref<32768xf32, #tpu.memory_space<vmem>>, vector<16xf32>,
      %parallel_loop3A_103 = arith.constant 6144 : i32
      %parallel_loop3A_104 = vector.broadcast %parallel_loop3A_103 : i32 to vector<16xi32>
      %parallel_loop3A_105 = arith.addi %parallel_loop3A_54, %parallel_loop3A_104 : vector<16xi32>
      %parallel_loop3A_106 = tpu.vector_load_idx %arg5[%parallel_loop3A_105] : memref<32768xf32, #tpu.memory_space<vmem>>[vector<16xi32>], vector<16xf32>,
      %parallel_loop3A_107 = arith.constant 6144 : i32
      %parallel_loop3A_108 = arith.addi %parallel_loop3A_107, %parallel_loop3A_52 : i32
      %parallel_loop3A_109 = arith.index_cast %parallel_loop3A_108 : i32 to index
      %parallel_loop3A_110 = tpu.vector_load %arg7[%parallel_loop3A_109] {strides = array<i32>} : memref<32768xf32, #tpu.memory_space<vmem>>, vector<16xf32>,
      tpu.vector_store %arg7[%parallel_loop3A_109], %parallel_loop3A_106 {strides = array<i32>} : memref<32768xf32, #tpu.memory_space<vmem>>, vector<16xf32>,
      %parallel_loop3A_111 = arith.constant 7168 : i32
      %parallel_loop3A_112 = vector.broadcast %parallel_loop3A_111 : i32 to vector<16xi32>
      %parallel_loop3A_113 = arith.addi %parallel_loop3A_54, %parallel_loop3A_112 : vector<16xi32>
      %parallel_loop3A_114 = tpu.vector_load_idx %arg5[%parallel_loop3A_113] : memref<32768xf32, #tpu.memory_space<vmem>>[vector<16xi32>], vector<16xf32>,
      %parallel_loop3A_115 = arith.constant 7168 : i32
      %parallel_loop3A_116 = arith.addi %parallel_loop3A_115, %parallel_loop3A_52 : i32
      %parallel_loop3A_117 = arith.index_cast %parallel_loop3A_116 : i32 to index
      %parallel_loop3A_118 = tpu.vector_load %arg7[%parallel_loop3A_117] {strides = array<i32>} : memref<32768xf32, #tpu.memory_space<vmem>>, vector<16xf32>,
      tpu.vector_store %arg7[%parallel_loop3A_117], %parallel_loop3A_114 {strides = array<i32>} : memref<32768xf32, #tpu.memory_space<vmem>>, vector<16xf32>,
      %parallel_loop3A_119 = arith.constant 8192 : i32
      %parallel_loop3A_120 = vector.broadcast %parallel_loop3A_119 : i32 to vector<16xi32>
      %parallel_loop3A_121 = arith.addi %parallel_loop3A_54, %parallel_loop3A_120 : vector<16xi32>
      %parallel_loop3A_122 = tpu.vector_load_idx %arg5[%parallel_loop3A_121] : memref<32768xf32, #tpu.memory_space<vmem>>[vector<16xi32>], vector<16xf32>,
      %parallel_loop3A_123 = arith.constant 8192 : i32
      %parallel_loop3A_124 = arith.addi %parallel_loop3A_123, %parallel_loop3A_52 : i32
      %parallel_loop3A_125 = arith.index_cast %parallel_loop3A_124 : i32 to index
      %parallel_loop3A_126 = tpu.vector_load %arg7[%parallel_loop3A_125] {strides = array<i32>} : memref<32768xf32, #tpu.memory_space<vmem>>, vector<16xf32>,
      tpu.vector_store %arg7[%parallel_loop3A_125], %parallel_loop3A_122 {strides = array<i32>} : memref<32768xf32, #tpu.memory_space<vmem>>, vector<16xf32>,
      %parallel_loop3A_127 = arith.constant 9216 : i32
      %parallel_loop3A_128 = vector.broadcast %parallel_loop3A_127 : i32 to vector<16xi32>
      %parallel_loop3A_129 = arith.addi %parallel_loop3A_54, %parallel_loop3A_128 : vector<16xi32>
      %parallel_loop3A_130 = tpu.vector_load_idx %arg5[%parallel_loop3A_129] : memref<32768xf32, #tpu.memory_space<vmem>>[vector<16xi32>], vector<16xf32>,
      %parallel_loop3A_131 = arith.constant 9216 : i32
      %parallel_loop3A_132 = arith.addi %parallel_loop3A_131, %parallel_loop3A_52 : i32
      %parallel_loop3A_133 = arith.index_cast %parallel_loop3A_132 : i32 to index
      %parallel_loop3A_134 = tpu.vector_load %arg7[%parallel_loop3A_133] {strides = array<i32>} : memref<32768xf32, #tpu.memory_space<vmem>>, vector<16xf32>,
      tpu.vector_store %arg7[%parallel_loop3A_133], %parallel_loop3A_130 {strides = array<i32>} : memref<32768xf32, #tpu.memory_space<vmem>>, vector<16xf32>,
      %parallel_loop3A_135 = arith.constant 10240 : i32
      %parallel_loop3A_136 = vector.broadcast %parallel_loop3A_135 : i32 to vector<16xi32>
      %parallel_loop3A_137 = arith.addi %parallel_loop3A_54, %parallel_loop3A_136 : vector<16xi32>
      %parallel_loop3A_138 = tpu.vector_load_idx %arg5[%parallel_loop3A_137] : memref<32768xf32, #tpu.memory_space<vmem>>[vector<16xi32>], vector<16xf32>,
      %parallel_loop3A_139 = arith.constant 10240 : i32
      %parallel_loop3A_140 = arith.addi %parallel_loop3A_139, %parallel_loop3A_52 : i32
      %parallel_loop3A_141 = arith.index_cast %parallel_loop3A_140 : i32 to index
      %parallel_loop3A_142 = tpu.vector_load %arg7[%parallel_loop3A_141] {strides = array<i32>} : memref<32768xf32, #tpu.memory_space<vmem>>, vector<16xf32>,
      tpu.vector_store %arg7[%parallel_loop3A_141], %parallel_loop3A_138 {strides = array<i32>} : memref<32768xf32, #tpu.memory_space<vmem>>, vector<16xf32>,
      %parallel_loop3A_143 = arith.constant 11264 : i32
      %parallel_loop3A_144 = vector.broadcast %parallel_loop3A_143 : i32 to vector<16xi32>
      %parallel_loop3A_145 = arith.addi %parallel_loop3A_54, %parallel_loop3A_144 : vector<16xi32>
      %parallel_loop3A_146 = tpu.vector_load_idx %arg5[%parallel_loop3A_145] : memref<32768xf32, #tpu.memory_space<vmem>>[vector<16xi32>], vector<16xf32>,
      %parallel_loop3A_147 = arith.constant 11264 : i32
      %parallel_loop3A_148 = arith.addi %parallel_loop3A_147, %parallel_loop3A_52 : i32
      %parallel_loop3A_149 = arith.index_cast %parallel_loop3A_148 : i32 to index
      %parallel_loop3A_150 = tpu.vector_load %arg7[%parallel_loop3A_149] {strides = array<i32>} : memref<32768xf32, #tpu.memory_space<vmem>>, vector<16xf32>,
      tpu.vector_store %arg7[%parallel_loop3A_149], %parallel_loop3A_146 {strides = array<i32>} : memref<32768xf32, #tpu.memory_space<vmem>>, vector<16xf32>,
      %parallel_loop3A_151 = arith.constant 12288 : i32
      %parallel_loop3A_152 = vector.broadcast %parallel_loop3A_151 : i32 to vector<16xi32>
      %parallel_loop3A_153 = arith.addi %parallel_loop3A_54, %parallel_loop3A_152 : vector<16xi32>
      %parallel_loop3A_154 = tpu.vector_load_idx %arg5[%parallel_loop3A_153] : memref<32768xf32, #tpu.memory_space<vmem>>[vector<16xi32>], vector<16xf32>,
      %parallel_loop3A_155 = arith.constant 12288 : i32
      %parallel_loop3A_156 = arith.addi %parallel_loop3A_155, %parallel_loop3A_52 : i32
      %parallel_loop3A_157 = arith.index_cast %parallel_loop3A_156 : i32 to index
      %parallel_loop3A_158 = tpu.vector_load %arg7[%parallel_loop3A_157] {strides = array<i32>} : memref<32768xf32, #tpu.memory_space<vmem>>, vector<16xf32>,
      tpu.vector_store %arg7[%parallel_loop3A_157], %parallel_loop3A_154 {strides = array<i32>} : memref<32768xf32, #tpu.memory_space<vmem>>, vector<16xf32>,
      %parallel_loop3A_159 = arith.constant 13312 : i32
      %parallel_loop3A_160 = vector.broadcast %parallel_loop3A_159 : i32 to vector<16xi32>
      %parallel_loop3A_161 = arith.addi %parallel_loop3A_54, %parallel_loop3A_160 : vector<16xi32>
      %parallel_loop3A_162 = tpu.vector_load_idx %arg5[%parallel_loop3A_161] : memref<32768xf32, #tpu.memory_space<vmem>>[vector<16xi32>], vector<16xf32>,
      %parallel_loop3A_163 = arith.constant 13312 : i32
      %parallel_loop3A_164 = arith.addi %parallel_loop3A_163, %parallel_loop3A_52 : i32
      %parallel_loop3A_165 = arith.index_cast %parallel_loop3A_164 : i32 to index
      %parallel_loop3A_166 = tpu.vector_load %arg7[%parallel_loop3A_165] {strides = array<i32>} : memref<32768xf32, #tpu.memory_space<vmem>>, vector<16xf32>,
      tpu.vector_store %arg7[%parallel_loop3A_165], %parallel_loop3A_162 {strides = array<i32>} : memref<32768xf32, #tpu.memory_space<vmem>>, vector<16xf32>,
      %parallel_loop3A_167 = arith.constant 14336 : i32
      %parallel_loop3A_168 = vector.broadcast %parallel_loop3A_167 : i32 to vector<16xi32>
      %parallel_loop3A_169 = arith.addi %parallel_loop3A_54, %parallel_loop3A_168 : vector<16xi32>
      %parallel_loop3A_170 = tpu.vector_load_idx %arg5[%parallel_loop3A_169] : memref<32768xf32, #tpu.memory_space<vmem>>[vector<16xi32>], vector<16xf32>,
      %parallel_loop3A_171 = arith.constant 14336 : i32
      %parallel_loop3A_172 = arith.addi %parallel_loop3A_171, %parallel_loop3A_52 : i32
      %parallel_loop3A_173 = arith.index_cast %parallel_loop3A_172 : i32 to index
      %parallel_loop3A_174 = tpu.vector_load %arg7[%parallel_loop3A_173] {strides = array<i32>} : memref<32768xf32, #tpu.memory_space<vmem>>, vector<16xf32>,
      tpu.vector_store %arg7[%parallel_loop3A_173], %parallel_loop3A_170 {strides = array<i32>} : memref<32768xf32, #tpu.memory_space<vmem>>, vector<16xf32>,
      %parallel_loop3A_175 = arith.constant 15360 : i32
      %parallel_loop3A_176 = vector.broadcast %parallel_loop3A_175 : i32 to vector<16xi32>
      %parallel_loop3A_177 = arith.addi %parallel_loop3A_54, %parallel_loop3A_176 : vector<16xi32>
      %parallel_loop3A_178 = tpu.vector_load_idx %arg5[%parallel_loop3A_177] : memref<32768xf32, #tpu.memory_space<vmem>>[vector<16xi32>], vector<16xf32>,
      %parallel_loop3A_179 = arith.constant 15360 : i32
      %parallel_loop3A_180 = arith.addi %parallel_loop3A_179, %parallel_loop3A_52 : i32
      %parallel_loop3A_181 = arith.index_cast %parallel_loop3A_180 : i32 to index
      %parallel_loop3A_182 = tpu.vector_load %arg7[%parallel_loop3A_181] {strides = array<i32>} : memref<32768xf32, #tpu.memory_space<vmem>>, vector<16xf32>,
      tpu.vector_store %arg7[%parallel_loop3A_181], %parallel_loop3A_178 {strides = array<i32>} : memref<32768xf32, #tpu.memory_space<vmem>>, vector<16xf32>,
      %parallel_loop3A_183 = arith.constant 16384 : i32
      %parallel_loop3A_184 = vector.broadcast %parallel_loop3A_183 : i32 to vector<16xi32>
      %parallel_loop3A_185 = arith.addi %parallel_loop3A_54, %parallel_loop3A_184 : vector<16xi32>
      %parallel_loop3A_186 = tpu.vector_load_idx %arg5[%parallel_loop3A_185] : memref<32768xf32, #tpu.memory_space<vmem>>[vector<16xi32>], vector<16xf32>,
      %parallel_loop3A_187 = arith.constant 16384 : i32
      %parallel_loop3A_188 = arith.addi %parallel_loop3A_187, %parallel_loop3A_52 : i32
      %parallel_loop3A_189 = arith.index_cast %parallel_loop3A_188 : i32 to index
      %parallel_loop3A_190 = tpu.vector_load %arg7[%parallel_loop3A_189] {strides = array<i32>} : memref<32768xf32, #tpu.memory_space<vmem>>, vector<16xf32>,
      tpu.vector_store %arg7[%parallel_loop3A_189], %parallel_loop3A_186 {strides = array<i32>} : memref<32768xf32, #tpu.memory_space<vmem>>, vector<16xf32>,
      %parallel_loop3A_191 = arith.constant 17408 : i32
      %parallel_loop3A_192 = vector.broadcast %parallel_loop3A_191 : i32 to vector<16xi32>
      %parallel_loop3A_193 = arith.addi %parallel_loop3A_54, %parallel_loop3A_192 : vector<16xi32>
      %parallel_loop3A_194 = tpu.vector_load_idx %arg5[%parallel_loop3A_193] : memref<32768xf32, #tpu.memory_space<vmem>>[vector<16xi32>], vector<16xf32>,
      %parallel_loop3A_195 = arith.constant 17408 : i32
      %parallel_loop3A_196 = arith.addi %parallel_loop3A_195, %parallel_loop3A_52 : i32
      %parallel_loop3A_197 = arith.index_cast %parallel_loop3A_196 : i32 to index
      %parallel_loop3A_198 = tpu.vector_load %arg7[%parallel_loop3A_197] {strides = array<i32>} : memref<32768xf32, #tpu.memory_space<vmem>>, vector<16xf32>,
      tpu.vector_store %arg7[%parallel_loop3A_197], %parallel_loop3A_194 {strides = array<i32>} : memref<32768xf32, #tpu.memory_space<vmem>>, vector<16xf32>,
      %parallel_loop3A_199 = arith.constant 18432 : i32
      %parallel_loop3A_200 = vector.broadcast %parallel_loop3A_199 : i32 to vector<16xi32>
      %parallel_loop3A_201 = arith.addi %parallel_loop3A_54, %parallel_loop3A_200 : vector<16xi32>
      %parallel_loop3A_202 = tpu.vector_load_idx %arg5[%parallel_loop3A_201] : memref<32768xf32, #tpu.memory_space<vmem>>[vector<16xi32>], vector<16xf32>,
      %parallel_loop3A_203 = arith.constant 18432 : i32
      %parallel_loop3A_204 = arith.addi %parallel_loop3A_203, %parallel_loop3A_52 : i32
      %parallel_loop3A_205 = arith.index_cast %parallel_loop3A_204 : i32 to index
      %parallel_loop3A_206 = tpu.vector_load %arg7[%parallel_loop3A_205] {strides = array<i32>} : memref<32768xf32, #tpu.memory_space<vmem>>, vector<16xf32>,
      tpu.vector_store %arg7[%parallel_loop3A_205], %parallel_loop3A_202 {strides = array<i32>} : memref<32768xf32, #tpu.memory_space<vmem>>, vector<16xf32>,
      %parallel_loop3A_207 = arith.constant 19456 : i32
      %parallel_loop3A_208 = vector.broadcast %parallel_loop3A_207 : i32 to vector<16xi32>
      %parallel_loop3A_209 = arith.addi %parallel_loop3A_54, %parallel_loop3A_208 : vector<16xi32>
      %parallel_loop3A_210 = tpu.vector_load_idx %arg5[%parallel_loop3A_209] : memref<32768xf32, #tpu.memory_space<vmem>>[vector<16xi32>], vector<16xf32>,
      %parallel_loop3A_211 = arith.constant 19456 : i32
      %parallel_loop3A_212 = arith.addi %parallel_loop3A_211, %parallel_loop3A_52 : i32
      %parallel_loop3A_213 = arith.index_cast %parallel_loop3A_212 : i32 to index
      %parallel_loop3A_214 = tpu.vector_load %arg7[%parallel_loop3A_213] {strides = array<i32>} : memref<32768xf32, #tpu.memory_space<vmem>>, vector<16xf32>,
      tpu.vector_store %arg7[%parallel_loop3A_213], %parallel_loop3A_210 {strides = array<i32>} : memref<32768xf32, #tpu.memory_space<vmem>>, vector<16xf32>,
      %parallel_loop3A_215 = arith.constant 20480 : i32
      %parallel_loop3A_216 = vector.broadcast %parallel_loop3A_215 : i32 to vector<16xi32>
      %parallel_loop3A_217 = arith.addi %parallel_loop3A_54, %parallel_loop3A_216 : vector<16xi32>
      %parallel_loop3A_218 = tpu.vector_load_idx %arg5[%parallel_loop3A_217] : memref<32768xf32, #tpu.memory_space<vmem>>[vector<16xi32>], vector<16xf32>,
      %parallel_loop3A_219 = arith.constant 20480 : i32
      %parallel_loop3A_220 = arith.addi %parallel_loop3A_219, %parallel_loop3A_52 : i32
      %parallel_loop3A_221 = arith.index_cast %parallel_loop3A_220 : i32 to index
      %parallel_loop3A_222 = tpu.vector_load %arg7[%parallel_loop3A_221] {strides = array<i32>} : memref<32768xf32, #tpu.memory_space<vmem>>, vector<16xf32>,
      tpu.vector_store %arg7[%parallel_loop3A_221], %parallel_loop3A_218 {strides = array<i32>} : memref<32768xf32, #tpu.memory_space<vmem>>, vector<16xf32>,
      %parallel_loop3A_223 = arith.constant 21504 : i32
      %parallel_loop3A_224 = vector.broadcast %parallel_loop3A_223 : i32 to vector<16xi32>
      %parallel_loop3A_225 = arith.addi %parallel_loop3A_54, %parallel_loop3A_224 : vector<16xi32>
      %parallel_loop3A_226 = tpu.vector_load_idx %arg5[%parallel_loop3A_225] : memref<32768xf32, #tpu.memory_space<vmem>>[vector<16xi32>], vector<16xf32>,
      %parallel_loop3A_227 = arith.constant 21504 : i32
      %parallel_loop3A_228 = arith.addi %parallel_loop3A_227, %parallel_loop3A_52 : i32
      %parallel_loop3A_229 = arith.index_cast %parallel_loop3A_228 : i32 to index
      %parallel_loop3A_230 = tpu.vector_load %arg7[%parallel_loop3A_229] {strides = array<i32>} : memref<32768xf32, #tpu.memory_space<vmem>>, vector<16xf32>,
      tpu.vector_store %arg7[%parallel_loop3A_229], %parallel_loop3A_226 {strides = array<i32>} : memref<32768xf32, #tpu.memory_space<vmem>>, vector<16xf32>,
      %parallel_loop3A_231 = arith.constant 22528 : i32
      %parallel_loop3A_232 = vector.broadcast %parallel_loop3A_231 : i32 to vector<16xi32>
      %parallel_loop3A_233 = arith.addi %parallel_loop3A_54, %parallel_loop3A_232 : vector<16xi32>
      %parallel_loop3A_234 = tpu.vector_load_idx %arg5[%parallel_loop3A_233] : memref<32768xf32, #tpu.memory_space<vmem>>[vector<16xi32>], vector<16xf32>,
      %parallel_loop3A_235 = arith.constant 22528 : i32
      %parallel_loop3A_236 = arith.addi %parallel_loop3A_235, %parallel_loop3A_52 : i32
      %parallel_loop3A_237 = arith.index_cast %parallel_loop3A_236 : i32 to index
      %parallel_loop3A_238 = tpu.vector_load %arg7[%parallel_loop3A_237] {strides = array<i32>} : memref<32768xf32, #tpu.memory_space<vmem>>, vector<16xf32>,
      tpu.vector_store %arg7[%parallel_loop3A_237], %parallel_loop3A_234 {strides = array<i32>} : memref<32768xf32, #tpu.memory_space<vmem>>, vector<16xf32>,
      %parallel_loop3A_239 = arith.constant 23552 : i32
      %parallel_loop3A_240 = vector.broadcast %parallel_loop3A_239 : i32 to vector<16xi32>
      %parallel_loop3A_241 = arith.addi %parallel_loop3A_54, %parallel_loop3A_240 : vector<16xi32>
      %parallel_loop3A_242 = tpu.vector_load_idx %arg5[%parallel_loop3A_241] : memref<32768xf32, #tpu.memory_space<vmem>>[vector<16xi32>], vector<16xf32>,
      %parallel_loop3A_243 = arith.constant 23552 : i32
      %parallel_loop3A_244 = arith.addi %parallel_loop3A_243, %parallel_loop3A_52 : i32
      %parallel_loop3A_245 = arith.index_cast %parallel_loop3A_244 : i32 to index
      %parallel_loop3A_246 = tpu.vector_load %arg7[%parallel_loop3A_245] {strides = array<i32>} : memref<32768xf32, #tpu.memory_space<vmem>>, vector<16xf32>,
      tpu.vector_store %arg7[%parallel_loop3A_245], %parallel_loop3A_242 {strides = array<i32>} : memref<32768xf32, #tpu.memory_space<vmem>>, vector<16xf32>,
      %parallel_loop3A_247 = arith.constant 24576 : i32
      %parallel_loop3A_248 = vector.broadcast %parallel_loop3A_247 : i32 to vector<16xi32>
      %parallel_loop3A_249 = arith.addi %parallel_loop3A_54, %parallel_loop3A_248 : vector<16xi32>
      %parallel_loop3A_250 = tpu.vector_load_idx %arg5[%parallel_loop3A_249] : memref<32768xf32, #tpu.memory_space<vmem>>[vector<16xi32>], vector<16xf32>,
      %parallel_loop3A_251 = arith.constant 24576 : i32
      %parallel_loop3A_252 = arith.addi %parallel_loop3A_251, %parallel_loop3A_52 : i32
      %parallel_loop3A_253 = arith.index_cast %parallel_loop3A_252 : i32 to index
      %parallel_loop3A_254 = tpu.vector_load %arg7[%parallel_loop3A_253] {strides = array<i32>} : memref<32768xf32, #tpu.memory_space<vmem>>, vector<16xf32>,
      tpu.vector_store %arg7[%parallel_loop3A_253], %parallel_loop3A_250 {strides = array<i32>} : memref<32768xf32, #tpu.memory_space<vmem>>, vector<16xf32>,
      %parallel_loop3A_255 = arith.constant 25600 : i32
      %parallel_loop3A_256 = vector.broadcast %parallel_loop3A_255 : i32 to vector<16xi32>
      %parallel_loop3A_257 = arith.addi %parallel_loop3A_54, %parallel_loop3A_256 : vector<16xi32>
      %parallel_loop3A_258 = tpu.vector_load_idx %arg5[%parallel_loop3A_257] : memref<32768xf32, #tpu.memory_space<vmem>>[vector<16xi32>], vector<16xf32>,
      %parallel_loop3A_259 = arith.constant 25600 : i32
      %parallel_loop3A_260 = arith.addi %parallel_loop3A_259, %parallel_loop3A_52 : i32
      %parallel_loop3A_261 = arith.index_cast %parallel_loop3A_260 : i32 to index
      %parallel_loop3A_262 = tpu.vector_load %arg7[%parallel_loop3A_261] {strides = array<i32>} : memref<32768xf32, #tpu.memory_space<vmem>>, vector<16xf32>,
      tpu.vector_store %arg7[%parallel_loop3A_261], %parallel_loop3A_258 {strides = array<i32>} : memref<32768xf32, #tpu.memory_space<vmem>>, vector<16xf32>,
      %parallel_loop3A_263 = arith.constant 26624 : i32
      %parallel_loop3A_264 = vector.broadcast %parallel_loop3A_263 : i32 to vector<16xi32>
      %parallel_loop3A_265 = arith.addi %parallel_loop3A_54, %parallel_loop3A_264 : vector<16xi32>
      %parallel_loop3A_266 = tpu.vector_load_idx %arg5[%parallel_loop3A_265] : memref<32768xf32, #tpu.memory_space<vmem>>[vector<16xi32>], vector<16xf32>,
      %parallel_loop3A_267 = arith.constant 26624 : i32
      %parallel_loop3A_268 = arith.addi %parallel_loop3A_267, %parallel_loop3A_52 : i32
      %parallel_loop3A_269 = arith.index_cast %parallel_loop3A_268 : i32 to index
      %parallel_loop3A_270 = tpu.vector_load %arg7[%parallel_loop3A_269] {strides = array<i32>} : memref<32768xf32, #tpu.memory_space<vmem>>, vector<16xf32>,
      tpu.vector_store %arg7[%parallel_loop3A_269], %parallel_loop3A_266 {strides = array<i32>} : memref<32768xf32, #tpu.memory_space<vmem>>, vector<16xf32>,
      %parallel_loop3A_271 = arith.constant 27648 : i32
      %parallel_loop3A_272 = vector.broadcast %parallel_loop3A_271 : i32 to vector<16xi32>
      %parallel_loop3A_273 = arith.addi %parallel_loop3A_54, %parallel_loop3A_272 : vector<16xi32>
      %parallel_loop3A_274 = tpu.vector_load_idx %arg5[%parallel_loop3A_273] : memref<32768xf32, #tpu.memory_space<vmem>>[vector<16xi32>], vector<16xf32>,
      %parallel_loop3A_275 = arith.constant 27648 : i32
      %parallel_loop3A_276 = arith.addi %parallel_loop3A_275, %parallel_loop3A_52 : i32
      %parallel_loop3A_277 = arith.index_cast %parallel_loop3A_276 : i32 to index
      %parallel_loop3A_278 = tpu.vector_load %arg7[%parallel_loop3A_277] {strides = array<i32>} : memref<32768xf32, #tpu.memory_space<vmem>>, vector<16xf32>,
      tpu.vector_store %arg7[%parallel_loop3A_277], %parallel_loop3A_274 {strides = array<i32>} : memref<32768xf32, #tpu.memory_space<vmem>>, vector<16xf32>,
      %parallel_loop3A_279 = arith.constant 28672 : i32
      %parallel_loop3A_280 = vector.broadcast %parallel_loop3A_279 : i32 to vector<16xi32>
      %parallel_loop3A_281 = arith.addi %parallel_loop3A_54, %parallel_loop3A_280 : vector<16xi32>
      %parallel_loop3A_282 = tpu.vector_load_idx %arg5[%parallel_loop3A_281] : memref<32768xf32, #tpu.memory_space<vmem>>[vector<16xi32>], vector<16xf32>,
      %parallel_loop3A_283 = arith.constant 28672 : i32
      %parallel_loop3A_284 = arith.addi %parallel_loop3A_283, %parallel_loop3A_52 : i32
      %parallel_loop3A_285 = arith.index_cast %parallel_loop3A_284 : i32 to index
      %parallel_loop3A_286 = tpu.vector_load %arg7[%parallel_loop3A_285] {strides = array<i32>} : memref<32768xf32, #tpu.memory_space<vmem>>, vector<16xf32>,
      tpu.vector_store %arg7[%parallel_loop3A_285], %parallel_loop3A_282 {strides = array<i32>} : memref<32768xf32, #tpu.memory_space<vmem>>, vector<16xf32>,
      %parallel_loop3A_287 = arith.constant 29696 : i32
      %parallel_loop3A_288 = vector.broadcast %parallel_loop3A_287 : i32 to vector<16xi32>
      %parallel_loop3A_289 = arith.addi %parallel_loop3A_54, %parallel_loop3A_288 : vector<16xi32>
      %parallel_loop3A_290 = tpu.vector_load_idx %arg5[%parallel_loop3A_289] : memref<32768xf32, #tpu.memory_space<vmem>>[vector<16xi32>], vector<16xf32>,
      %parallel_loop3A_291 = arith.constant 29696 : i32
      %parallel_loop3A_292 = arith.addi %parallel_loop3A_291, %parallel_loop3A_52 : i32
      %parallel_loop3A_293 = arith.index_cast %parallel_loop3A_292 : i32 to index
      %parallel_loop3A_294 = tpu.vector_load %arg7[%parallel_loop3A_293] {strides = array<i32>} : memref<32768xf32, #tpu.memory_space<vmem>>, vector<16xf32>,
      tpu.vector_store %arg7[%parallel_loop3A_293], %parallel_loop3A_290 {strides = array<i32>} : memref<32768xf32, #tpu.memory_space<vmem>>, vector<16xf32>,
      %parallel_loop3A_295 = arith.constant 30720 : i32
      %parallel_loop3A_296 = vector.broadcast %parallel_loop3A_295 : i32 to vector<16xi32>
      %parallel_loop3A_297 = arith.addi %parallel_loop3A_54, %parallel_loop3A_296 : vector<16xi32>
      %parallel_loop3A_298 = tpu.vector_load_idx %arg5[%parallel_loop3A_297] : memref<32768xf32, #tpu.memory_space<vmem>>[vector<16xi32>], vector<16xf32>,
      %parallel_loop3A_299 = arith.constant 30720 : i32
      %parallel_loop3A_300 = arith.addi %parallel_loop3A_299, %parallel_loop3A_52 : i32
      %parallel_loop3A_301 = arith.index_cast %parallel_loop3A_300 : i32 to index
      %parallel_loop3A_302 = tpu.vector_load %arg7[%parallel_loop3A_301] {strides = array<i32>} : memref<32768xf32, #tpu.memory_space<vmem>>, vector<16xf32>,
      tpu.vector_store %arg7[%parallel_loop3A_301], %parallel_loop3A_298 {strides = array<i32>} : memref<32768xf32, #tpu.memory_space<vmem>>, vector<16xf32>,
      %parallel_loop3A_303 = arith.constant 31744 : i32
      %parallel_loop3A_304 = vector.broadcast %parallel_loop3A_303 : i32 to vector<16xi32>
      %parallel_loop3A_305 = arith.addi %parallel_loop3A_54, %parallel_loop3A_304 : vector<16xi32>
      %parallel_loop3A_306 = tpu.vector_load_idx %arg5[%parallel_loop3A_305] : memref<32768xf32, #tpu.memory_space<vmem>>[vector<16xi32>], vector<16xf32>,
      %parallel_loop3A_307 = arith.constant 31744 : i32
      %parallel_loop3A_308 = arith.addi %parallel_loop3A_307, %parallel_loop3A_52 : i32
      %parallel_loop3A_309 = arith.index_cast %parallel_loop3A_308 : i32 to index
      %parallel_loop3A_310 = tpu.vector_load %arg7[%parallel_loop3A_309] {strides = array<i32>} : memref<32768xf32, #tpu.memory_space<vmem>>, vector<16xf32>,
      tpu.vector_store %arg7[%parallel_loop3A_309], %parallel_loop3A_306 {strides = array<i32>} : memref<32768xf32, #tpu.memory_space<vmem>>, vector<16xf32>,
    } {sc.loop_unroll_factor = 2 : i64, sc.parallel_access}
    %mul3A_45 = arith.constant 64 : i32
    %mul3A_46 = arith.muli %select_n3A, %mul3A_45 : i32
    %add3A_47 = arith.addi %mul3A_46, %mul3A_32 : i32
    %mul3A_48 = arith.constant 1024 : i32
    %mul3A_49 = arith.muli %add3A_47, %mul3A_48 : i32
    "tpu.region"() ({
      %run_scoped3A = tpu.sem_alloc : memref<!tpu.dma_semaphore, #tpu.memory_space<semaphore_mem>>
      %dma_start3A_50 = tpu.memref_slice %arg4[%mul3A_49] : memref<1048576xf32, #tpu.memory_space<hbm>> -> memref<32768xf32, #tpu.memory_space<hbm>>
      %dma_start3A_51 = tpu.memref_slice %arg4[%mul3A_49] : memref<1048576xf32, #tpu.memory_space<hbm>> -> memref<32768xf32, #tpu.memory_space<hbm>>
      tpu.enqueue_dma source(%arg7 : memref<32768xf32, #tpu.memory_space<vmem>>) target(%dma_start3A_51 : memref<32768xf32, #tpu.memory_space<hbm>>) target_semaphore(%run_scoped3A : memref<!tpu.dma_semaphore, #tpu.memory_space<semaphore_mem>>)
      %dma_wait3A_52 = tpu.memref_slice %arg4[%mul3A_49] : memref<1048576xf32, #tpu.memory_space<hbm>> -> memref<32768xf32, #tpu.memory_space<hbm>>
      %dma_wait3A_53 = tpu.memref_slice %arg4[%mul3A_49] : memref<1048576xf32, #tpu.memory_space<hbm>> -> memref<32768xf32, #tpu.memory_space<hbm>>
      tpu.wait_dma2 semaphore(%run_scoped3A : memref<!tpu.dma_semaphore, #tpu.memory_space<semaphore_mem>>) src(%arg7 : memref<32768xf32, #tpu.memory_space<vmem>>) dst(%dma_wait3A_53 : memref<32768xf32, #tpu.memory_space<hbm>>)
      tpu.yield
    }) : () -> ()
    return
  }
}

module attributes {stable_mosaic.version = 14 : i64} {
  func.func @_vq_argmin_kernel(%arg0: i32, %arg1: memref<1x64x1024xf32, #tpu.memory_space<vmem>>, %arg2: memref<64x1024xf32, #tpu.memory_space<vmem>>, %arg3: memref<1x1x1024xi32, #tpu.memory_space<vmem>>, %arg4: memref<1x1x1024xf32, #tpu.memory_space<vmem>>, %arg5: memref<1x1x1024xf32, #tpu.memory_space<vmem>>, %arg6: memref<1x1x1024xf32, #tpu.memory_space<vmem>>) attributes {dimension_semantics = [#tpu.dimension_semantics<parallel>], iteration_bounds = array<i64: 16>, scalar_prefetch = 0 : i64, scratch_operands = 0 : i64, tpu.core_type = #tpu.core_type<tc>, window_params = [{transform_indices = @transform_0, window_bounds = array<i64: 1, 64, 1024>}, {pipeline_mode = #tpu.pipeline_mode<synchronous>, transform_indices = @transform_1, window_bounds = array<i64: 64, 1024>}, {transform_indices = @transform_2, window_bounds = array<i64: 1, 1, 1024>}, {transform_indices = @transform_3, window_bounds = array<i64: 1, 1, 1024>}, {transform_indices = @transform_4, window_bounds = array<i64: 1, 1, 1024>}, {transform_indices = @transform_5, window_bounds = array<i64: 1, 1, 1024>}]} {
    %get3A = arith.constant 0 : index
    %get3A_0 = arith.constant 0 : index
    %get3A_1 = arith.constant 0 : index
    %get3A_2 = vector.load %arg1[%get3A, %get3A_0, %get3A_1] : memref<1x64x1024xf32, #tpu.memory_space<vmem>>, vector<1x64x1024xf32>
    %get3A_3 = vector.shape_cast %get3A_2 : vector<1x64x1024xf32> to vector<64x1024xf32>
    %get3A_4 = arith.constant 0 : index
    %get3A_5 = arith.constant 0 : index
    %get3A_6 = vector.load %arg2[%get3A_4, %get3A_5] : memref<64x1024xf32, #tpu.memory_space<vmem>>, vector<64x1024xf32>
    %transpose3A = tpu.transpose %get3A_6, [1, 0] : vector<64x1024xf32> -> vector<1024x64xf32>
    %mul3A = arith.constant -2.000000e+00 : f32
    %mul3A_7 = vector.broadcast %mul3A : f32 to vector<1024x64xf32>
    %mul3A_8 = arith.mulf %transpose3A, %mul3A_7 : vector<1024x64xf32>
    %dot_general3A = arith.constant dense<0.000000e+00> : vector<1024x1024xf32>
    %dot_general3A_9 = tpu.matmul %mul3A_8, %get3A_3, %dot_general3A {dimension_numbers = #tpu.dot_dimension_numbers<[1], [0], [0], [1], [0, 0, 1, 1], [], []>, transpose_lhs_hint = false} : vector<1024x64xf32>, vector<64x1024xf32>, vector<1024x1024xf32> -> vector<1024x1024xf32>
    %mul3A_10 = arith.mulf %get3A_3, %get3A_3 : vector<64x1024xf32>
    %reduce_sum3A = arith.constant dense<0.000000e+00> : vector<1024xf32>
    %reduce_sum3A_11 = vector.multi_reduction <add>, %mul3A_10, %reduce_sum3A [0] : vector<64x1024xf32> to vector<1024xf32>
    %broadcast_in_dim3A = vector.shape_cast %reduce_sum3A_11 : vector<1024xf32> to vector<1x1024xf32>
    %mul3A_12 = arith.mulf %transpose3A, %transpose3A : vector<1024x64xf32>
    %reduce_sum3A_13 = arith.constant dense<0.000000e+00> : vector<1024xf32>
    %reduce_sum3A_14 = vector.multi_reduction <add>, %mul3A_12, %reduce_sum3A_13 [1] : vector<1024x64xf32> to vector<1024xf32>
    %broadcast_in_dim3A_15 = vector.shape_cast %reduce_sum3A_14 : vector<1024xf32> to vector<1024x1xf32>
    %add3A = vector.broadcast %broadcast_in_dim3A : vector<1x1024xf32> to vector<1024x1024xf32>
    %add3A_16 = vector.broadcast %broadcast_in_dim3A_15 : vector<1024x1xf32> to vector<1024x1024xf32>
    %add3A_17 = arith.addf %add3A, %add3A_16 : vector<1024x1024xf32>
    %add3A_18 = arith.addf %add3A_17, %dot_general3A_9 : vector<1024x1024xf32>
    %reduce_min3A = arith.constant dense<0x7F800000> : vector<1024xf32>
    %reduce_min3A_19 = vector.multi_reduction <minimumf>, %add3A_18, %reduce_min3A [0] : vector<1024x1024xf32> to vector<1024xf32>
    %broadcast_in_dim3A_20 = vector.shape_cast %reduce_min3A_19 : vector<1024xf32> to vector<1x1024xf32>
    %iota3A = tpu.iota {dimensions = array<i32: 0>} : vector<1024x1xi32>
    %convert_element_type3A = arith.sitofp %iota3A : vector<1024x1xi32> to vector<1024x1xf32>
    %eq3A = vector.broadcast %broadcast_in_dim3A_20 : vector<1x1024xf32> to vector<1024x1024xf32>
    %eq3A_21 = arith.cmpf oeq, %add3A_18, %eq3A : vector<1024x1024xf32>
    %jit3A = arith.constant 1.024000e+03 : f32
    %broadcast_in_dim3A_22 = vector.shape_cast %convert_element_type3A : vector<1024x1xf32> to vector<1024x1xf32>
    %broadcast_in_dim3A_23 = vector.broadcast %broadcast_in_dim3A_22 : vector<1024x1xf32> to vector<1024x1024xf32>
    %broadcast_in_dim3A_24 = vector.broadcast %jit3A : f32 to vector<1024x1024xf32>
    %select_n3A = arith.select %eq3A_21, %broadcast_in_dim3A_23, %broadcast_in_dim3A_24 : vector<1024x1024xi1>, vector<1024x1024xf32>
    %reduce_min3A_25 = arith.constant dense<0x7F800000> : vector<1024xf32>
    %reduce_min3A_26 = vector.multi_reduction <minimumf>, %select_n3A, %reduce_min3A_25 [0] : vector<1024x1024xf32> to vector<1024xf32>
    %convert_element_type3A_27 = arith.fptosi %reduce_min3A_26 : vector<1024xf32> to vector<1024xi32>
    %swap3A = arith.constant 0 : index
    %swap3A_28 = arith.constant 0 : index
    %swap3A_29 = arith.constant 0 : index
    %swap3A_30 = vector.load %arg3[%swap3A, %swap3A_28, %swap3A_29] : memref<1x1x1024xi32, #tpu.memory_space<vmem>>, vector<1x1x1024xi32>
    %swap3A_31 = vector.shape_cast %swap3A_30 : vector<1x1x1024xi32> to vector<1024xi32>
    %swap3A_32 = vector.shape_cast %convert_element_type3A_27 : vector<1024xi32> to vector<1x1x1024xi32>
    tpu.vector_store %arg3[%swap3A, %swap3A_28, %swap3A_29], %swap3A_32 {strides = array<i32>} : memref<1x1x1024xi32, #tpu.memory_space<vmem>>, vector<1x1x1024xi32>,
    %squeeze3A = vector.shape_cast %broadcast_in_dim3A_20 : vector<1x1024xf32> to vector<1024xf32>
    %mul3A_33 = arith.constant 1.562500e-02 : f32
    %mul3A_34 = vector.broadcast %mul3A_33 : f32 to vector<1024xf32>
    %mul3A_35 = arith.mulf %squeeze3A, %mul3A_34 : vector<1024xf32>
    %swap3A_36 = arith.constant 0 : index
    %swap3A_37 = arith.constant 0 : index
    %swap3A_38 = arith.constant 0 : index
    %swap3A_39 = vector.load %arg5[%swap3A_36, %swap3A_37, %swap3A_38] : memref<1x1x1024xf32, #tpu.memory_space<vmem>>, vector<1x1x1024xf32>
    %swap3A_40 = vector.shape_cast %swap3A_39 : vector<1x1x1024xf32> to vector<1024xf32>
    %swap3A_41 = vector.shape_cast %mul3A_35 : vector<1024xf32> to vector<1x1x1024xf32>
    tpu.vector_store %arg5[%swap3A_36, %swap3A_37, %swap3A_38], %swap3A_41 {strides = array<i32>} : memref<1x1x1024xf32, #tpu.memory_space<vmem>>, vector<1x1x1024xf32>,
    %swap3A_42 = arith.constant 0 : index
    %swap3A_43 = arith.constant 0 : index
    %swap3A_44 = arith.constant 0 : index
    %swap3A_45 = vector.load %arg6[%swap3A_42, %swap3A_43, %swap3A_44] : memref<1x1x1024xf32, #tpu.memory_space<vmem>>, vector<1x1x1024xf32>
    %swap3A_46 = vector.shape_cast %swap3A_45 : vector<1x1x1024xf32> to vector<1024xf32>
    %swap3A_47 = vector.shape_cast %mul3A_35 : vector<1024xf32> to vector<1x1x1024xf32>
    tpu.vector_store %arg6[%swap3A_42, %swap3A_43, %swap3A_44], %swap3A_47 {strides = array<i32>} : memref<1x1x1024xf32, #tpu.memory_space<vmem>>, vector<1x1x1024xf32>,
    %mul3A_48 = arith.constant 2.500000e-01 : f32
    %mul3A_49 = vector.broadcast %mul3A_48 : f32 to vector<1024xf32>
    %mul3A_50 = arith.mulf %mul3A_35, %mul3A_49 : vector<1024xf32>
    %add3A_51 = arith.addf %mul3A_50, %mul3A_35 : vector<1024xf32>
    %swap3A_52 = arith.constant 0 : index
    %swap3A_53 = arith.constant 0 : index
    %swap3A_54 = arith.constant 0 : index
    %swap3A_55 = vector.load %arg4[%swap3A_52, %swap3A_53, %swap3A_54] : memref<1x1x1024xf32, #tpu.memory_space<vmem>>, vector<1x1x1024xf32>
    %swap3A_56 = vector.shape_cast %swap3A_55 : vector<1x1x1024xf32> to vector<1024xf32>
    %swap3A_57 = vector.shape_cast %add3A_51 : vector<1024xf32> to vector<1x1x1024xf32>
    tpu.vector_store %arg4[%swap3A_52, %swap3A_53, %swap3A_54], %swap3A_57 {strides = array<i32>} : memref<1x1x1024xf32, #tpu.memory_space<vmem>>, vector<1x1x1024xf32>,
    return
  }
  func.func @transform_0(%arg0: i32) -> (i32, i32, i32) {
    %c0_i32 = arith.constant 0 : i32
    %c0_i32_0 = arith.constant 0 : i32
    %c0_i32_1 = arith.constant 0 : i32
    return %arg0, %c0_i32, %c0_i32_0 : i32, i32, i32
  }
  func.func @transform_1(%arg0: i32) -> (i32, i32) {
    %c0_i32 = arith.constant 0 : i32
    %c0_i32_0 = arith.constant 0 : i32
    %c0_i32_1 = arith.constant 0 : i32
    return %c0_i32, %c0_i32_0 : i32, i32
  }
  func.func @transform_2(%arg0: i32) -> (i32, i32, i32) {
    %c0_i32 = arith.constant 0 : i32
    %c0_i32_0 = arith.constant 0 : i32
    %c0_i32_1 = arith.constant 0 : i32
    return %arg0, %c0_i32, %c0_i32_0 : i32, i32, i32
  }
  func.func @transform_3(%arg0: i32) -> (i32, i32, i32) {
    %c0_i32 = arith.constant 0 : i32
    %c0_i32_0 = arith.constant 0 : i32
    %c0_i32_1 = arith.constant 0 : i32
    return %arg0, %c0_i32, %c0_i32_0 : i32, i32, i32
  }
  func.func @transform_4(%arg0: i32) -> (i32, i32, i32) {
    %c0_i32 = arith.constant 0 : i32
    %c0_i32_0 = arith.constant 0 : i32
    %c0_i32_1 = arith.constant 0 : i32
    return %arg0, %c0_i32, %c0_i32_0 : i32, i32, i32
  }
  func.func @transform_5(%arg0: i32) -> (i32, i32, i32) {
    %c0_i32 = arith.constant 0 : i32
    %c0_i32_0 = arith.constant 0 : i32
    %c0_i32_1 = arith.constant 0 : i32
    return %arg0, %c0_i32, %c0_i32_0 : i32, i32, i32
  }
}

</mosaic_0001>

<sc_bundles>
// kernel: kernel.4.cloned.1.call-start
scs
__scs_entry_jumppad:
0x0: {  	(pc) =	sbr.rel $0x88, $3  }
0x1: {  	(tag) =	ssettag $0x0;
	lr =	simm.s32 $0x1  }
0x2: {  	[smem:$0x3F9F] =	sst lr;
	_ =	strace $0xD0000000  }
0x3: {  	_ = 	snop  }
0x4: {  	_ = 	snop  }
0x5: {  	_ = 	snop  }
0x6: {  	_ = 	snop  }
0x7: {  	_ = 	snop  }
__scs_overlays_trampoline_lowered:
0x8: {  	[smem:$0x3FAE] =	sst s0  }
0x9: {  	[smem:$0x3FAF] =	sst s1  }
0xa: {  	[smem:$0x3FB0] =	sst s2  }
0xb: {  	[smem:$0x3FB1] =	sst s3  }
0xc: {  	[smem:$0x3FB2] =	sst s4  }
0xd: {  	[smem:$0x3FB3] =	sst s5  }
0xe: {  	[smem:$0x3FB4] =	sst s6  }
0xf: {  	[smem:$0x3FB5] =	sst s7  }
0x10: {  	[smem:$0x3FB6] =	sst s8  }
0x11: {  	[smem:$0x3FB7] =	sst s9;
	s0 =	simm.s32 @!p0 $0x0  }
0x12: {  	s1 =	sld [smem:$0x3F9D];
	s0 =	simm.s32 @p0 $0x1  }
0x13: {  	[smem:$0x3FB8] =	sst s0;
	s0 =	simm.s32 @!p1 $0x0  }
0x14: {  	s2 =	sld [smem:$0x3F9C];
	s0 =	simm.s32 @p1 $0x1  }
0x15: {  	[smem:$0x3FB9] =	sst s0;
	s0 =	simm.s32 @!p2 $0x0  }
0x16: {  	s3 =	sld [smem:$0x3FDB];
	s0 =	simm.s32 @p2 $0x1  }
0x17: {  	s4 =	simm.s32 $0x1BF5;
	[smem:$0x3FBB] =	sst s0  }
0x18: {  	s0 =	sld [smem:$0x3F9E];
	_ =	swait.ge [sflag:s4], $0x0  }
0x19: {  	s7 =	sld [smem:$0x3F9F]  }
0x1a: {  	s8 =	sadd.s32 $0xFFFFE003, lr  }
0x1b: {  	s9 =	sadd.s32 $0xFFFFFEF7, lr;
	s5 =	simm.s32 $0xFFFFFFFF;
	p2 =	slt.u32 s8, $0xFFFFF086  }
0x1c: {  	p1 =	slt.u32 s9, $0xF7A;
	s5 =	simm.s32 @!p2 $0x0  }
0x1d: {  	s5 =	simm.s32 @p1 $0x1;
	p0 =	seq.s32 s7, s2  }
0x1e: {  	s7 =	smul.u32 @!p0 $0xF7A, s2;
	p2 =	seq.s32 @!p0 s5, $0x0  }
0x1f: {  	s9 =	smul.u32 $0xF7A, s1;
	s8 =	simm.s32 @!p0 $0x1BF5;
	p2 =	por !p2, p0  }
0x20: {  	[sflag:s8] =	ssyncset.s32 @!p0 $0xFFFFF086;
	s6 =	sadd.s32 @!p0 s3, s7;
	s7 =	simm.s32 @!p0 $0x108  }
0x21: {  	s3 =	sadd.s32 s3, s9;
	s6 =	sadd.s32 @!p0 $0x88, s6;
	s7 =	simm.s32 @p2 $0x1082  }
0x22: {  	[simem:s7], [sflag:s8] =	dma.local @!p0 [hbm:s6], $0xF7A  }
0x23: {  	s9 =	sor.u32 $0xD0000000, s2;
	s6 =	simm.s32 $0x108;
	_ =	swait.ge @!p0 [sflag:s8], $0x0  }
0x24: {  	s3 =	sadd.s32 $0x88, s3;
	s6 =	simm.s32 @!p1 $0x1082;
	[sflag:s4] =	ssyncset.s32 $0xFFFFF086  }
0x25: {  	[simem:s6], [sflag:s4] =	dma.local [hbm:s3], $0xF7A  }
0x26: {  	[smem:$0x3F9F] =	sst s1;
	(tag) =	ssettag s2;
	_ =	strace s9  }
0x27: {  	s1 =	sld [smem:$0x3FAF]  }
0x28: {  	s2 =	sld [smem:$0x3FB0]  }
0x29: {  	s4 =	sld [smem:$0x3FB2]  }
0x2a: {  	p0 =	seq.s32 s5, $0x0;
	s5 =	sld [smem:$0x3FB3]  }
0x2b: {  	s6 =	sld [smem:$0x3FB4]  }
0x2c: {  	s7 =	sld [smem:$0x3FB5]  }
0x2d: {  	s3 =	simm.s32 $0x108;
	s8 =	sld [smem:$0x3FB6]  }
0x2e: {  	s3 =	simm.s32 @!p0 $0x1082;
	s9 =	sld [smem:$0x3FB7]  }
0x2f: {  	lr =	sadd.s32 s0, s3;
	s0 =	sld [smem:$0x3FAE]  }
0x30: {  	s3 =	sld [smem:$0x3FB1]  }
0x31: {  	[smem:$0x3FBA] =	sst s10  }
0x32: {  	s10 =	sld [smem:$0x3FB8];
	_ =	sdelay $0x3  }
0x33: {  	p0 =	seq.s32 s10, $0x1;
	s10 =	sld [smem:$0x3FBA];
	_ =	sdelay $0x3  }
0x34: {  	[smem:$0x3FBA] =	sst s10  }
0x35: {  	s10 =	sld [smem:$0x3FB9];
	_ =	sdelay $0x3  }
0x36: {  	p1 =	seq.s32 s10, $0x1;
	s10 =	sld [smem:$0x3FBA];
	_ =	sdelay $0x3  }
0x37: {  	[smem:$0x3FBA] =	sst s10  }
0x38: {  	s10 =	sld [smem:$0x3FBB]  }
0x39: {  	_ = 	snop;
	(pc) =	sbr.ind lr, $3  }
0x3a: {  	_ = 	snop  }
0x3b: {  	_ = 	snop  }
0x3c: {  	p2 =	seq.s32 s10, $0x1;
	s10 =	sld [smem:$0x3FBA]  }
0x3d: {  	_ =	shalt  }
0x3e: {  	_ =	shalt  }
0x3f: {  	_ =	shalt  }
0x40: {  	_ =	shalt  }
0x41: {  	_ =	shalt  }
0x42: {  	_ =	shalt  }
0x43: {  	_ =	shalt  }
0x44: {  	_ =	shalt  }
0x45: {  	_ =	shalt  }
0x46: {  	_ =	shalt  }
0x47: {  	_ =	shalt  }
0x48: {  	_ =	shalt  }
0x49: {  	_ =	shalt  }
0x4a: {  	_ =	shalt  }
0x4b: {  	_ =	shalt  }
0x4c: {  	_ =	shalt  }
0x4d: {  	_ =	shalt  }
0x4e: {  	_ =	shalt  }
0x4f: {  	_ =	shalt  }
0x50: {  	_ =	shalt  }
0x51: {  	_ =	shalt  }
0x52: {  	_ =	shalt  }
0x53: {  	_ =	shalt  }
0x54: {  	_ =	shalt  }
0x55: {  	_ =	shalt  }
0x56: {  	_ =	shalt  }
0x57: {  	_ =	shalt  }
0x58: {  	_ =	shalt  }
0x59: {  	_ =	shalt  }
0x5a: {  	_ =	shalt  }
0x5b: {  	_ =	shalt  }
0x5c: {  	_ =	shalt  }
0x5d: {  	_ =	shalt  }
0x5e: {  	_ =	shalt  }
0x5f: {  	_ =	shalt  }
0x60: {  	_ =	shalt  }
0x61: {  	_ =	shalt  }
0x62: {  	_ =	shalt  }
0x63: {  	_ =	shalt  }
0x64: {  	_ =	shalt  }
0x65: {  	_ =	shalt  }
0x66: {  	_ =	shalt  }
0x67: {  	_ =	shalt  }
0x68: {  	_ =	shalt  }
0x69: {  	_ =	shalt  }
0x6a: {  	_ =	shalt  }
0x6b: {  	_ =	shalt  }
0x6c: {  	_ =	shalt  }
0x6d: {  	_ =	shalt  }
0x6e: {  	_ =	shalt  }
0x6f: {  	_ =	shalt  }
0x70: {  	_ =	shalt  }
0x71: {  	_ =	shalt  }
0x72: {  	_ =	shalt  }
0x73: {  	_ =	shalt  }
0x74: {  	_ =	shalt  }
0x75: {  	_ =	shalt  }
0x76: {  	_ =	shalt  }
0x77: {  	_ =	shalt  }
0x78: {  	_ =	shalt  }
0x79: {  	_ =	shalt  }
0x7a: {  	_ =	shalt  }
0x7b: {  	_ =	shalt  }
0x7c: {  	_ =	shalt  }
0x7d: {  	_ =	shalt  }
0x7e: {  	_ =	shalt  }
0x7f: {  	_ =	shalt  }
0x80: {  	_ =	shalt  }
0x81: {  	_ =	shalt  }
0x82: {  	_ =	shalt  }
0x83: {  	_ =	shalt  }
0x84: {  	_ =	shalt  }
0x85: {  	_ =	shalt  }
0x86: {  	_ =	shalt  }
0x87: {  	_ =	shalt  }
.Lfunc_end0:
.L_simem_size_0:
called_computation_lowered:
.L_overlay_start_0:
0x88: {  	s2 =	sld [smem:$0x3FD9]  }
0x89: {  	s3 =	sld [smem:$0x3FFE];
	_ =	sdelay $0x1  }
0x8a: {  	s1 =	srdreg.scid  }
0x8b: {  	s0 =	sand.u32 $0x1, s1  }
0x8c: {  	s14 =	sshll.u32 s0, $0xA;
	s2 =	sadd.s32 s3, s2  }
0x8d: {  	s2 =	sadd.s32 s2, s14  }
0x8e: {  	[smem:$0x3FC6] =	sst s2  }
0x8f: {  	_ = 	snop  }
0x90: {  	s2 =	sld [smem:$0x3FD0];
	_ =	sdelay $0x2  }
0x91: {  	s15 =	simm.s32 $0xA;
	s4 =	simm.s32 $0x10  }
0x92: {  	[smem:s4], [sflag:s15] =	dma.local [hbm:s2], $0x1  }
0x93: {  	_ =	swait.eq [sflag:s15], $0x1  }
0x94: {  	[sflag:s15] =	ssyncset.done $0x0  }
0x95: {  	[sflag:s15] =	ssyncadd.s32 $0xFFFFFFFF  }
0x96: {  	s16 =	sld [smem:$0x10];
	(tm) =	ssettm $0x1  }
0x97: {  	s17 =	sld [smem:$0x3FFB];
	_ =	sdelay $0x3  }
0x98: {  	_ =	strace s17  }
0x99: {  	s3 =	sld [smem:$0x3FFC];
	_ =	sdelay $0x3  }
0x9a: {  	_ =	strace s3  }
0x9b: {  	s3 =	sld [smem:$0x3FFD];
	_ =	sdelay $0x3  }
0x9c: {  	_ =	strace s3  }
0x9d: {  	_ =	strace $0x8FFFFFFF  }
0x9e: {  	s18 =	sld [smem:$0x3FDB];
	_ =	sdelay $0x1  }
0x9f: {  	s19 =	simm.s32 $_scs_section_size  }
0xa0: {  	s5 =	simm.s32 $_size__tile_overlayer_lowered;
	s6 =	simm.s32 $_tile_overlayer_lowered  }
0xa1: {  	s22 =	simm.s32 $0x1BFF;
	s21 =	sshll.u32 s6, $0x1;
	s3 =	sadd.s32 s19, s18  }
0xa2: {  	s7 =	simm.s32 $0x0;
	s20 =	sshll.u32 s5, $0x1;
	s5 =	sadd.s32 s21, s3  }
0xa3: {  	[timem:s7], [sflag:s22] =	dma.local [hbm:s5], s20  }
0xa4: {  	_ =	swait.ge [sflag:s22], s20  }
0xa5: {  	s4 =	ssub.s32 $0x0, s20;
	[sflag:s22] =	ssyncset.done $0x0  }
0xa6: {  	[sflag:s22] =	ssyncadd.s32 s4;
	_ =	sdelay $0x1  }
0xa7: {  	s23 =	simm.s32 $0x1B8B  }
0xa8: {  	_ =	swait.ge [sflag:s23], $0x1  }
0xa9: {  	[sflag:s23] =	ssyncset.done $0x0  }
0xaa: {  	s25 =	simm.s32 $0x1B8E;
	s24 =	sld [smem:$0x3FFE];
	[sflag:s23] =	ssyncadd.s32 $0xFFFFFFFF  }
0xab: {  	s26 =	simm.s32 $execute0_lowered;
	[smem:$0x3FD2] =	sst s25  }
0xac: {  	s5 =	sshll.u32 s26, $0x1;
	_ =	strace $0x80000046;
	[dreg:$0x1] =	wrdreg $0xFFFFFFFF  }
0xad: {  	s28 =	simm.s32 $_size_execute0_lowered;
	s3 =	sadd.s32 s3, s5;
	[dreg:$0x0] =	wrdreg $0x0  }
0xae: {  	s5 =	sshll.u32 s28, $0x1;
	[dreg:$0x2] =	wrdreg s3  }
0xaf: {  	[dreg:$0x3] =	wrdreg s5  }
0xb0: {  	[dreg:$0x4] =	wrdreg $0xC0  }
0xb1: {  	_ =	task [dreg:s7], $0x5FFFF  }
0xb2: {  	[dreg:$0x1] =	wrdreg $0xFFFFFFFF  }
0xb3: {  	[dreg:$0x0] =	wrdreg $0x60  }
0xb4: {  	[dreg:$0x2] =	wrdreg s24  }
0xb5: {  	[dreg:$0x3] =	wrdreg s16  }
0xb6: {  	[dreg:$0x4] =	wrdreg $0x9  }
0xb7: {  	_ =	task.clear_ibuf [dreg:s7], $0x5FFFF;
	_ =	strace $0x90000046  }
0xb8: {  	s29 =	simm.s32 $0x9;
	_ =	strace $0x80000048  }
0xb9: {  	_ =	swait.ge [sflag:s29], $0x1  }
0xba: {  	[sflag:s29] =	ssyncadd.s32 $0xFFFFFFFF  }
0xbb: {  	_ =	strace $0x90000048  }
0xbc: {  	_ =	sfence  }
0xbd: {  	s30 =	sld [smem:$0x0];
	_ =	sdelay $0x2  }
0xbe: {  	s31 =	sshll.u32 s1, $0xD;
	s1 =	sshrl.u32 s1, $0x2  }
0xbf: {  	s3 =	sand.u32 $0x4000, s31;
	s1 =	sadd.s32 s1, s30  }
0xc0: {  	s0 =	sor.u32 s3, s0;
	s1 =	sshll.u32 s1, $0x11  }
0xc1: {  	s0 =	sor.u32 s1, s0  }
0xc2: {  	s0 =	sadd.s32 $0x8F2B, s0  }
0xc3: {  	[sflag:s0] =	ssyncadd.remote.s32 $0x1  }
0xc4: {  	_ =	sfence.sel $0xFFFF  }
0xc5: {  	[dreg:$0x0] =	wrdreg $0xFFFFFFFF;
	(pc) =	sbr.abs _section_cstart, $3  }
0xc6: {  	[dreg:$0x1] =	wrdreg $0xFFFFFFFF  }
0xc7: {  	_ =	task.clear_ibuf [dreg:s7], $0x2FFFF;
	_ =	strace $0x9FFFFFFF  }
0xc8: {  	(tm) =	ssettm $0x7FFFFFFF  }
0xc9: {  	_ =	shalt  }
tec
execute0_lowered:
.L_overlay_start_1:
0x0: {  	(tag) =	ssettag $0x1  }
0x1: {  	s0 =	srdreg.scid;
	s4 =	rddreg [dreg:$0x0]  }
0x2: {  	s6 =	rddreg [dreg:$0x1];
	s3 =	sand.u32 $0x1, s0;
	s0 =	stileid.u32  }
0x3: {  	s2 =	simm.s32 $0x0;
	s5 =	simm.s32 $0x1;
	s1 =	sor.u32 s3, s0  }
0x4: {  	s11 =	simm.s32 $0x3;
	p1 =	seq.s32 s3, $0x1;
	p0 =	seq.s32 s1, $0x0  }
0x5: {  	s12 =	simm.s32 $0x0;
	[smem:$0x7FF] =	sst s2;
	p0 =	por !p0, !p1  }
0x6: {  	s7 =	sshll.u32 s3, $0xC;
	s8 =	ssub.s32 $0x2, s3;
	p0 =	por !p0, !p0  }
0x7: {  	s3 =	sshll.u32 s3, $0xF;
	s1 =	rddreg [dreg:$0x2];
	s5 =	simm.s32 @!p0 $0x0  }
0x8: {  	_ =	strace $0x80000047;
	s9 =	sshrl.u32 s8, $0x1;
	s5 =	ssub.s32 s0, s5  }
0x9: {  	s7 =	sadd.s32 s7, s4;
	s8 =	ssub.s32 s8, s9;
	s10 =	sshll.u32 s5, $0x10  }
0xa: {  	s5 =	sshll.u32 s5, $0x7;
	s31 =	sor.u32 s3, s10;
	s3 =	simm.s32 $0x1  }
0xb: {  	s5 =	sand.u32 $0x1FFFFF80, s5;
	s10 =	simm.s32 $0x8400;
	s9 =	sshrl.u32 s31, $0x3  }
0xc: {  	s4 =	sadd.s32 s4, s5;
	s5 =	sadd.s32 $0x800, s7;
	s7 =	smax.u32 s8, $0x1  }
0xd: {  	s8 =	simm.s32 $0x8000;
	s6 =	sadd.s32 s6, s9;
	s9 =	simm.s32 $0x2  }
.LBB2_1:
0xe: {  	[tilespmem:s8], [sflag:$0x1] =	stream.linear.gather [hbm4b:s4+s2], $0x400, $0x38;
	[tilespmem:$0x10400] =	vst v63  }
0xf: {  	_ = 	snop  }
0x10: {  	[tilespmem:s2], [sflag:$0x2] =	stream.linear.gather [hbm4b:s5+s2], $0x8000, $0x38;
	[tilespmem:$0x10400] =	vst v63  }
0x11: {  	_ =	swait.ge [sflag:s3], $0x400  }
0x12: {  	[sflag:s3] =	ssyncset.done $0x0  }
0x13: {  	[sflag:s3] =	ssyncadd.s32 $0xFFFFFC00  }
0x14: {  	_ =	swait.ge [sflag:s9], $0x8000  }
0x15: {  	[sflag:s9] =	ssyncset.done $0x0  }
0x16: {  	s21 =	simm.s32 $0x0;
	[sflag:s9] =	ssyncadd.s32 $0xFFFF8000  }
0x17: {  	v4 =	vld [tilespmem:s21+$0x8010];
	_ =	sdelay $0x7  }
0x18: {  	v0 =	vld.idx.msk [tilespmem:v4+s2+$0x0], $0xffff  }
0x19: {  	v1 =	vadd.s32 $0x400, v4  }
0x1a: {  	v3 =	vld [tilespmem:s21+$0x8000];
	_ =	sdelay $0x2  }
0x1b: {  	[tilespmem:s21+$0x8410] =	vst v0  }
0x1c: {  	v0 =	vld.idx.msk [tilespmem:v1+s2+$0x0], $0xffff  }
0x1d: {  	v1 =	vadd.s32 $0x800, v4;
	_ =	sdelay $0x2  }
0x1e: {  	v2 =	vld.idx.msk [tilespmem:v3+s2+$0x0], $0xffff  }
0x1f: {  	[tilespmem:s21+$0x8810] =	vst v0;
	v0 =	vadd.s32 $0x400, v3  }
0x20: {  	v1 =	vld.idx.msk [tilespmem:v1+s2+$0x0], $0xffff  }
0x21: {  	v5 =	vadd.s32 $0xC00, v4;
	_ =	sdelay $0x1  }
0x22: {  	[tilespmem:s21+$0x8400] =	vst v2  }
0x23: {  	v0 =	vld.idx.msk [tilespmem:v0+s2+$0x0], $0xffff  }
0x24: {  	[tilespmem:s21+$0x8C10] =	vst v1;
	v1 =	vadd.s32 $0x800, v3  }
0x25: {  	v2 =	vld.idx.msk [tilespmem:v5+s2+$0x0], $0xffff  }
0x26: {  	v5 =	vadd.s32 $0x1000, v4  }
0x27: {  	s15 =	sand.u32 $0x3E0, s2  }
0x28: {  	[tilespmem:s15+$0x8800] =	vst v0  }
0x29: {  	v0 =	vld.idx.msk [tilespmem:v1+s2+$0x0], $0xffff  }
0x2a: {  	v1 =	vadd.s32 $0xC00, v3;
	[tilespmem:s21+$0x9010] =	vst v2  }
0x2b: {  	v2 =	vld.idx.msk [tilespmem:v5+s2+$0x0], $0xffff  }
0x2c: {  	v5 =	vadd.s32 $0x1400, v4;
	_ =	sdelay $0x1  }
0x2d: {  	[tilespmem:s15+$0x8C00] =	vst v0  }
0x2e: {  	v0 =	vld.idx.msk [tilespmem:v1+s2+$0x0], $0xffff  }
0x2f: {  	v1 =	vadd.s32 $0x1000, v3;
	[tilespmem:s21+$0x9410] =	vst v2  }
0x30: {  	v2 =	vld.idx.msk [tilespmem:v5+s2+$0x0], $0xffff  }
0x31: {  	v5 =	vadd.s32 $0x1800, v4;
	_ =	sdelay $0x1  }
0x32: {  	[tilespmem:s15+$0x9000] =	vst v0  }
0x33: {  	v0 =	vld.idx.msk [tilespmem:v1+s2+$0x0], $0xffff  }
0x34: {  	v1 =	vadd.s32 $0x1400, v3;
	[tilespmem:s21+$0x9810] =	vst v2  }
0x35: {  	v2 =	vld.idx.msk [tilespmem:v5+s2+$0x0], $0xffff  }
0x36: {  	v5 =	vadd.s32 $0x1C00, v4;
	_ =	sdelay $0x1  }
0x37: {  	[tilespmem:s15+$0x9400] =	vst v0  }
0x38: {  	v0 =	vld.idx.msk [tilespmem:v1+s2+$0x0], $0xffff  }
0x39: {  	v1 =	vadd.s32 $0x1800, v3;
	[tilespmem:s21+$0x9C10] =	vst v2  }
0x3a: {  	v2 =	vld.idx.msk [tilespmem:v5+s2+$0x0], $0xffff  }
0x3b: {  	v5 =	vadd.s32 $0x2000, v4;
	_ =	sdelay $0x1  }
0x3c: {  	[tilespmem:s15+$0x9800] =	vst v0  }
0x3d: {  	s13 =	simm.s32 $0x20;
	v1 =	vld.idx.msk [tilespmem:v1+s2+$0x0], $0xffff  }
0x3e: {  	v0 =	vld [tilespmem:s13+$0x8010];
	[tilespmem:s21+$0xA010] =	vst v2;
	v2 =	vadd.s32 $0x1C00, v3  }
0x3f: {  	v5 =	vld.idx.msk [tilespmem:v5+s2+$0x0], $0xffff  }
0x40: {  	v7 =	vadd.s32 $0x2400, v4;
	_ =	sdelay $0x1  }
0x41: {  	[tilespmem:s15+$0x9C00] =	vst v1  }
0x42: {  	v1 =	vld.idx.msk [tilespmem:v2+s2+$0x0], $0xffff  }
0x43: {  	v6 =	vld [tilespmem:s13+$0x8000];
	v2 =	vadd.s32 $0x2000, v3;
	[tilespmem:s21+$0xA410] =	vst v5  }
0x44: {  	v5 =	vld.idx.msk [tilespmem:v7+s2+$0x0], $0xffff  }
0x45: {  	v7 =	vadd.s32 $0x2800, v4  }
0x46: {  	v8 =	vld.idx.msk [tilespmem:v0+s2+$0x0], $0xffff  }
0x47: {  	[tilespmem:s15+$0xA000] =	vst v1;
	v1 =	vadd.s32 $0x400, v0  }
0x48: {  	v2 =	vld.idx.msk [tilespmem:v2+s2+$0x0], $0xffff  }
0x49: {  	v9 =	vadd.s32 $0x2400, v3;
	[tilespmem:s21+$0xA810] =	vst v5  }
0x4a: {  	v5 =	vld.idx.msk [tilespmem:v7+s2+$0x0], $0xffff  }
0x4b: {  	[tilespmem:s13+$0x8410] =	vst v8;
	v8 =	vadd.s32 $0x2C00, v4;
	v7 =	vld.idx.msk [tilespmem:v6+s2+$0x0], $0xffff  }
0x4c: {  	v10 =	vadd.s32 $0x400, v6;
	v1 =	vld.idx.msk [tilespmem:v1+s2+$0x0], $0xffff  }
0x4d: {  	[tilespmem:s15+$0xA400] =	vst v2;
	v2 =	vadd.s32 $0x800, v0  }
0x4e: {  	v9 =	vld.idx.msk [tilespmem:v9+s2+$0x0], $0xffff  }
0x4f: {  	v11 =	vadd.s32 $0x2800, v3;
	[tilespmem:s21+$0xAC10] =	vst v5  }
0x50: {  	[tilespmem:s13+$0x8400] =	vst v7;
	v5 =	vld.idx.msk [tilespmem:v8+s2+$0x0], $0xffff  }
0x51: {  	v7 =	vld.idx.msk [tilespmem:v10+s2+$0x0], $0xffff;
	[tilespmem:s13+$0x8810] =	vst v1;
	v1 =	vadd.s32 $0x3000, v4  }
0x52: {  	v8 =	vadd.s32 $0x800, v6;
	v2 =	vld.idx.msk [tilespmem:v2+s2+$0x0], $0xffff  }
0x53: {  	[tilespmem:s15+$0xA800] =	vst v9  }
0x54: {  	s14 =	simm.s32 $0x20;
	v9 =	vadd.s32 $0xC00, v0;
	v10 =	vld.idx.msk [tilespmem:v11+s2+$0x0], $0xffff  }
0x55: {  	s14 =	sand.u32 $0x3E0, s14;
	v11 =	vadd.s32 $0x2C00, v3;
	[tilespmem:s21+$0xB010] =	vst v5  }
0x56: {  	[tilespmem:s14+$0x8800] =	vst v7;
	v1 =	vld.idx.msk [tilespmem:v1+s2+$0x0], $0xffff  }
0x57: {  	v5 =	vld.idx.msk [tilespmem:v8+s2+$0x0], $0xffff;
	[tilespmem:s13+$0x8C10] =	vst v2;
	v2 =	vadd.s32 $0x3400, v4  }
0x58: {  	v7 =	vadd.s32 $0xC00, v6  }
0x59: {  	v8 =	vld.idx.msk [tilespmem:v9+s2+$0x0], $0xffff;
	[tilespmem:s15+$0xAC00] =	vst v10  }
0x5a: {  	v9 =	vadd.s32 $0x1000, v0;
	v10 =	vld.idx.msk [tilespmem:v11+s2+$0x0], $0xffff  }
0x5b: {  	v11 =	vadd.s32 $0x3000, v3;
	[tilespmem:s21+$0xB410] =	vst v1  }
0x5c: {  	[tilespmem:s14+$0x8C00] =	vst v5;
	v1 =	vld.idx.msk [tilespmem:v2+s2+$0x0], $0xffff  }
0x5d: {  	v5 =	vadd.s32 $0x3800, v4;
	v2 =	vld.idx.msk [tilespmem:v7+s2+$0x0], $0xffff  }
0x5e: {  	v7 =	vadd.s32 $0x1000, v6;
	[tilespmem:s13+$0x9010] =	vst v8  }
0x5f: {  	v8 =	vld.idx.msk [tilespmem:v9+s2+$0x0], $0xffff;
	[tilespmem:s15+$0xB000] =	vst v10  }
0x60: {  	v9 =	vadd.s32 $0x1400, v0;
	v10 =	vld.idx.msk [tilespmem:v11+s2+$0x0], $0xffff  }
0x61: {  	v11 =	vadd.s32 $0x3400, v3;
	[tilespmem:s21+$0xB810] =	vst v1  }
0x62: {  	[tilespmem:s14+$0x9000] =	vst v2;
	v1 =	vld.idx.msk [tilespmem:v5+s2+$0x0], $0xffff  }
0x63: {  	v2 =	vld.idx.msk [tilespmem:v7+s2+$0x0], $0xffff;
	v5 =	vadd.s32 $0x3C00, v4  }
0x64: {  	v7 =	vadd.s32 $0x1400, v6;
	[tilespmem:s13+$0x9410] =	vst v8  }
0x65: {  	v8 =	vld.idx.msk [tilespmem:v9+s2+$0x0], $0xffff;
	[tilespmem:s15+$0xB400] =	vst v10  }
0x66: {  	v9 =	vadd.s32 $0x1800, v0;
	v10 =	vld.idx.msk [tilespmem:v11+s2+$0x0], $0xffff  }
0x67: {  	v11 =	vadd.s32 $0x3800, v3;
	[tilespmem:s21+$0xBC10] =	vst v1  }
0x68: {  	[tilespmem:s14+$0x9400] =	vst v2;
	v1 =	vld.idx.msk [tilespmem:v5+s2+$0x0], $0xffff  }
0x69: {  	v2 =	vld.idx.msk [tilespmem:v7+s2+$0x0], $0xffff;
	v5 =	vadd.s32 $0x4000, v4  }
0x6a: {  	v7 =	vadd.s32 $0x1800, v6;
	[tilespmem:s13+$0x9810] =	vst v8  }
0x6b: {  	v8 =	vld.idx.msk [tilespmem:v9+s2+$0x0], $0xffff;
	[tilespmem:s15+$0xB800] =	vst v10  }
0x6c: {  	v9 =	vadd.s32 $0x1C00, v0;
	v10 =	vld.idx.msk [tilespmem:v11+s2+$0x0], $0xffff  }
0x6d: {  	v11 =	vadd.s32 $0x3C00, v3;
	[tilespmem:s21+$0xC010] =	vst v1  }
0x6e: {  	[tilespmem:s14+$0x9800] =	vst v2;
	v1 =	vld.idx.msk [tilespmem:v5+s2+$0x0], $0xffff  }
0x6f: {  	v2 =	vld.idx.msk [tilespmem:v7+s2+$0x0], $0xffff;
	v5 =	vadd.s32 $0x4400, v4  }
0x70: {  	v7 =	vadd.s32 $0x1C00, v6;
	[tilespmem:s13+$0x9C10] =	vst v8  }
0x71: {  	v8 =	vld.idx.msk [tilespmem:v9+s2+$0x0], $0xffff;
	[tilespmem:s15+$0xBC00] =	vst v10  }
0x72: {  	v9 =	vadd.s32 $0x2000, v0;
	v10 =	vld.idx.msk [tilespmem:v11+s2+$0x0], $0xffff  }
0x73: {  	v11 =	vadd.s32 $0x4000, v3;
	[tilespmem:s21+$0xC410] =	vst v1  }
0x74: {  	[tilespmem:s14+$0x9C00] =	vst v2;
	v2 =	vld.idx.msk [tilespmem:v5+s2+$0x0], $0xffff  }
0x75: {  	s16 =	simm.s32 $0x40;
	v5 =	vld.idx.msk [tilespmem:v7+s2+$0x0], $0xffff;
	v7 =	vadd.s32 $0x4800, v4  }
0x76: {  	v1 =	vld [tilespmem:s16+$0x8010];
	[tilespmem:s13+$0xA010] =	vst v8  }
0x77: {  	v8 =	vld.idx.msk [tilespmem:v9+s2+$0x0], $0xffff;
	v9 =	vadd.s32 $0x2000, v6;
	[tilespmem:s15+$0xC000] =	vst v10  }
0x78: {  	v10 =	vld.idx.msk [tilespmem:v11+s2+$0x0], $0xffff;
	v11 =	vadd.s32 $0x2400, v0  }
0x79: {  	v13 =	vld [tilespmem:s16+$0x8000];
	v12 =	vadd.s32 $0x4400, v3;
	[tilespmem:s21+$0xC810] =	vst v2  }
0x7a: {  	s18 =	simm.s32 $0x60;
	v2 =	vld.idx.msk [tilespmem:v7+s2+$0x0], $0xffff  }
0x7b: {  	v48 =	vld [tilespmem:s18+$0x8000];
	[tilespmem:s14+$0xA000] =	vst v5;
	v5 =	vadd.s32 $0x4C00, v4  }
0x7c: {  	v7 =	vld.idx.msk [tilespmem:v9+s2+$0x0], $0xffff;
	[tilespmem:s13+$0xA410] =	vst v8  }
0x7d: {  	v8 =	vadd.s32 $0x2400, v6;
	[tilespmem:s15+$0xC400] =	vst v10;
	v9 =	vld.idx.msk [tilespmem:v11+s2+$0x0], $0xffff  }
0x7e: {  	v11 =	vadd.s32 $0x2800, v0;
	v10 =	vld.idx.msk [tilespmem:v12+s2+$0x0], $0xffff  }
0x7f: {  	v14 =	vld.idx.msk [tilespmem:v1+s2+$0x0], $0xffff;
	v12 =	vadd.s32 $0x4800, v3;
	[tilespmem:s21+$0xCC10] =	vst v2  }
0x80: {  	v2 =	vld.idx.msk [tilespmem:v5+s2+$0x0], $0xffff;
	v5 =	vadd.s32 $0x400, v1  }
0x81: {  	v15 =	vadd.s32 $0x5000, v4;
	[tilespmem:s14+$0xA400] =	vst v7;
	v7 =	vld.idx.msk [tilespmem:v13+s2+$0x0], $0xffff  }
0x82: {  	v16 =	vadd.s32 $0x400, v13;
	v8 =	vld.idx.msk [tilespmem:v8+s2+$0x0], $0xffff;
	[tilespmem:s13+$0xA810] =	vst v9  }
0x83: {  	v9 =	vadd.s32 $0x2800, v6;
	[tilespmem:s15+$0xC800] =	vst v10;
	v10 =	vld.idx.msk [tilespmem:v11+s2+$0x0], $0xffff  }
0x84: {  	[tilespmem:s16+$0x8410] =	vst v14;
	v11 =	vadd.s32 $0x2C00, v0;
	v12 =	vld.idx.msk [tilespmem:v12+s2+$0x0], $0xffff  }
0x85: {  	v14 =	vadd.s32 $0x4C00, v3;
	v5 =	vld.idx.msk [tilespmem:v5+s2+$0x0], $0xffff;
	[tilespmem:s21+$0xD010] =	vst v2  }
0x86: {  	[tilespmem:s16+$0x8400] =	vst v7;
	v7 =	vadd.s32 $0x800, v1;
	v2 =	vld.idx.msk [tilespmem:v15+s2+$0x0], $0xffff  }
0x87: {  	v15 =	vld.idx.msk [tilespmem:v16+s2+$0x0], $0xffff;
	[tilespmem:s14+$0xA800] =	vst v8;
	v8 =	vadd.s32 $0x5400, v4  }
0x88: {  	v16 =	vadd.s32 $0x800, v13;
	v9 =	vld.idx.msk [tilespmem:v9+s2+$0x0], $0xffff;
	[tilespmem:s13+$0xAC10] =	vst v10  }
0x89: {  	v10 =	vadd.s32 $0x2C00, v6;
	v11 =	vld.idx.msk [tilespmem:v11+s2+$0x0], $0xffff;
	[tilespmem:s15+$0xCC00] =	vst v12  }
0x8a: {  	s17 =	simm.s32 $0x40;
	[tilespmem:s16+$0x8810] =	vst v5;
	v5 =	vadd.s32 $0x3000, v0;
	v12 =	vld.idx.msk [tilespmem:v14+s2+$0x0], $0xffff  }
0x8b: {  	s17 =	sand.u32 $0x3E0, s17;
	v14 =	vadd.s32 $0x5000, v3;
	v7 =	vld.idx.msk [tilespmem:v7+s2+$0x0], $0xffff;
	[tilespmem:s21+$0xD410] =	vst v2  }
0x8c: {  	[tilespmem:s17+$0x8800] =	vst v15;
	v2 =	vld.idx.msk [tilespmem:v8+s2+$0x0], $0xffff;
	v8 =	vadd.s32 $0xC00, v1  }
0x8d: {  	v15 =	vld.idx.msk [tilespmem:v16+s2+$0x0], $0xffff;
	[tilespmem:s14+$0xAC00] =	vst v9;
	v9 =	vadd.s32 $0x5800, v4  }
0x8e: {  	v16 =	vadd.s32 $0xC00, v13;
	v10 =	vld.idx.msk [tilespmem:v10+s2+$0x0], $0xffff;
	[tilespmem:s13+$0xB010] =	vst v11  }
0x8f: {  	v11 =	vadd.s32 $0x3000, v6;
	v5 =	vld.idx.msk [tilespmem:v5+s2+$0x0], $0xffff;
	[tilespmem:s15+$0xD000] =	vst v12  }
0x90: {  	[tilespmem:s16+$0x8C10] =	vst v7;
	v7 =	vadd.s32 $0x3400, v0;
	v12 =	vld.idx.msk [tilespmem:v14+s2+$0x0], $0xffff  }
0x91: {  	v14 =	vadd.s32 $0x5400, v3;
	v8 =	vld.idx.msk [tilespmem:v8+s2+$0x0], $0xffff;
	[tilespmem:s21+$0xD810] =	vst v2  }
0x92: {  	[tilespmem:s17+$0x8C00] =	vst v15;
	v2 =	vld.idx.msk [tilespmem:v9+s2+$0x0], $0xffff;
	v9 =	vadd.s32 $0x1000, v1  }
0x93: {  	v15 =	vld.idx.msk [tilespmem:v16+s2+$0x0], $0xffff;
	[tilespmem:s14+$0xB000] =	vst v10;
	v10 =	vadd.s32 $0x5C00, v4  }
0x94: {  	v16 =	vadd.s32 $0x1000, v13;
	v11 =	vld.idx.msk [tilespmem:v11+s2+$0x0], $0xffff;
	[tilespmem:s13+$0xB410] =	vst v5  }
0x95: {  	v5 =	vadd.s32 $0x3400, v6;
	v7 =	vld.idx.msk [tilespmem:v7+s2+$0x0], $0xffff;
	[tilespmem:s15+$0xD400] =	vst v12  }
0x96: {  	[tilespmem:s16+$0x9010] =	vst v8;
	v8 =	vadd.s32 $0x3800, v0;
	v12 =	vld.idx.msk [tilespmem:v14+s2+$0x0], $0xffff  }
0x97: {  	v14 =	vadd.s32 $0x5800, v3;
	v9 =	vld.idx.msk [tilespmem:v9+s2+$0x0], $0xffff;
	[tilespmem:s21+$0xDC10] =	vst v2  }
0x98: {  	[tilespmem:s17+$0x9000] =	vst v15;
	v2 =	vld.idx.msk [tilespmem:v10+s2+$0x0], $0xffff;
	v10 =	vadd.s32 $0x1400, v1  }
0x99: {  	v15 =	vld.idx.msk [tilespmem:v16+s2+$0x0], $0xffff;
	[tilespmem:s14+$0xB400] =	vst v11;
	v11 =	vadd.s32 $0x6000, v4  }
0x9a: {  	v16 =	vadd.s32 $0x1400, v13;
	v5 =	vld.idx.msk [tilespmem:v5+s2+$0x0], $0xffff;
	[tilespmem:s13+$0xB810] =	vst v7  }
0x9b: {  	v7 =	vadd.s32 $0x3800, v6;
	v8 =	vld.idx.msk [tilespmem:v8+s2+$0x0], $0xffff;
	[tilespmem:s15+$0xD800] =	vst v12  }
0x9c: {  	[tilespmem:s16+$0x9410] =	vst v9;
	v9 =	vadd.s32 $0x3C00, v0;
	v12 =	vld.idx.msk [tilespmem:v14+s2+$0x0], $0xffff  }
0x9d: {  	v14 =	vadd.s32 $0x5C00, v3;
	v10 =	vld.idx.msk [tilespmem:v10+s2+$0x0], $0xffff;
	[tilespmem:s21+$0xE010] =	vst v2  }
0x9e: {  	[tilespmem:s17+$0x9400] =	vst v15;
	v2 =	vld.idx.msk [tilespmem:v11+s2+$0x0], $0xffff;
	v11 =	vadd.s32 $0x1800, v1  }
0x9f: {  	v15 =	vld.idx.msk [tilespmem:v16+s2+$0x0], $0xffff;
	[tilespmem:s14+$0xB800] =	vst v5;
	v5 =	vadd.s32 $0x6400, v4  }
0xa0: {  	v16 =	vadd.s32 $0x1800, v13;
	v7 =	vld.idx.msk [tilespmem:v7+s2+$0x0], $0xffff;
	[tilespmem:s13+$0xBC10] =	vst v8  }
0xa1: {  	v8 =	vadd.s32 $0x3C00, v6;
	v9 =	vld.idx.msk [tilespmem:v9+s2+$0x0], $0xffff;
	[tilespmem:s15+$0xDC00] =	vst v12  }
0xa2: {  	[tilespmem:s16+$0x9810] =	vst v10;
	v10 =	vadd.s32 $0x4000, v0;
	v12 =	vld.idx.msk [tilespmem:v14+s2+$0x0], $0xffff  }
0xa3: {  	v14 =	vadd.s32 $0x6000, v3;
	v11 =	vld.idx.msk [tilespmem:v11+s2+$0x0], $0xffff;
	[tilespmem:s21+$0xE410] =	vst v2  }
0xa4: {  	[tilespmem:s17+$0x9800] =	vst v15;
	v2 =	vld.idx.msk [tilespmem:v5+s2+$0x0], $0xffff;
	v5 =	vadd.s32 $0x1C00, v1  }
0xa5: {  	v15 =	vld.idx.msk [tilespmem:v16+s2+$0x0], $0xffff;
	[tilespmem:s14+$0xBC00] =	vst v7;
	v7 =	vadd.s32 $0x6800, v4  }
0xa6: {  	v16 =	vadd.s32 $0x1C00, v13;
	v8 =	vld.idx.msk [tilespmem:v8+s2+$0x0], $0xffff;
	[tilespmem:s13+$0xC010] =	vst v9  }
0xa7: {  	v9 =	vadd.s32 $0x4000, v6;
	v10 =	vld.idx.msk [tilespmem:v10+s2+$0x0], $0xffff;
	[tilespmem:s15+$0xE000] =	vst v12  }
0xa8: {  	[tilespmem:s16+$0x9C10] =	vst v11;
	v11 =	vadd.s32 $0x4400, v0;
	v12 =	vld.idx.msk [tilespmem:v14+s2+$0x0], $0xffff  }
0xa9: {  	v14 =	vadd.s32 $0x6400, v3;
	v5 =	vld.idx.msk [tilespmem:v5+s2+$0x0], $0xffff;
	[tilespmem:s21+$0xE810] =	vst v2  }
0xaa: {  	[tilespmem:s17+$0x9C00] =	vst v15;
	v2 =	vld.idx.msk [tilespmem:v7+s2+$0x0], $0xffff;
	v7 =	vadd.s32 $0x2000, v1  }
0xab: {  	v15 =	vld.idx.msk [tilespmem:v16+s2+$0x0], $0xffff;
	[tilespmem:s14+$0xC000] =	vst v8  }
0xac: {  	v8 =	vadd.s32 $0x6C00, v4;
	v9 =	vld.idx.msk [tilespmem:v9+s2+$0x0], $0xffff;
	[tilespmem:s13+$0xC410] =	vst v10  }
0xad: {  	v10 =	vld.idx.msk [tilespmem:v11+s2+$0x0], $0xffff;
	[tilespmem:s15+$0xE400] =	vst v12;
	v12 =	vadd.s32 $0x2000, v13  }
0xae: {  	[tilespmem:s16+$0xA010] =	vst v5;
	v5 =	vadd.s32 $0x4800, v0;
	v11 =	vld.idx.msk [tilespmem:v14+s2+$0x0], $0xffff  }
0xaf: {  	v14 =	vadd.s32 $0x4400, v6;
	v7 =	vld.idx.msk [tilespmem:v7+s2+$0x0], $0xffff;
	[tilespmem:s21+$0xEC10] =	vst v2  }
0xb0: {  	v17 =	vadd.s32 $0x6800, v3;
	v2 =	vld [tilespmem:s18+$0x8010];
	[tilespmem:s17+$0xA000] =	vst v15  }
0xb1: {  	v16 =	vadd.s32 $0x2400, v1;
	v8 =	vld.idx.msk [tilespmem:v8+s2+$0x0], $0xffff;
	[tilespmem:s14+$0xC400] =	vst v9  }
0xb2: {  	[tilespmem:s13+$0xC810] =	vst v10;
	v10 =	vadd.s32 $0x7000, v4;
	v9 =	vld.idx.msk [tilespmem:v12+s2+$0x0], $0xffff  }
0xb3: {  	v5 =	vld.idx.msk [tilespmem:v5+s2+$0x0], $0xffff;
	[tilespmem:s15+$0xE800] =	vst v11  }
0xb4: {  	v12 =	vadd.s32 $0x4C00, v0;
	[tilespmem:s16+$0xA410] =	vst v7;
	v7 =	vld.idx.msk [tilespmem:v14+s2+$0x0], $0xffff  }
0xb5: {  	v15 =	vld.idx.msk [tilespmem:v17+s2+$0x0], $0xffff  }
0xb6: {  	v14 =	vld.idx.msk [tilespmem:v16+s2+$0x0], $0xffff;
	[tilespmem:s21+$0xF010] =	vst v8;
	v8 =	vadd.s32 $0x2400, v13  }
0xb7: {  	v11 =	vadd.s32 $0x2800, v1;
	v10 =	vld.idx.msk [tilespmem:v10+s2+$0x0], $0xffff;
	[tilespmem:s17+$0xA400] =	vst v9  }
0xb8: {  	v17 =	vadd.s32 $0x4800, v6;
	v16 =	vld.idx.msk [tilespmem:v2+s2+$0x0], $0xffff;
	[tilespmem:s13+$0xCC10] =	vst v5  }
0xb9: {  	v5 =	vadd.s32 $0x7400, v4;
	v9 =	vld.idx.msk [tilespmem:v12+s2+$0x0], $0xffff;
	[tilespmem:s14+$0xC800] =	vst v7  }
0xba: {  	v18 =	vadd.s32 $0x400, v2;
	v12 =	vld.idx.msk [tilespmem:v48+s2+$0x0], $0xffff;
	[tilespmem:s15+$0xEC00] =	vst v15  }
0xbb: {  	v7 =	vld.idx.msk [tilespmem:v8+s2+$0x0], $0xffff;
	[tilespmem:s16+$0xA810] =	vst v14;
	v8 =	vadd.s32 $0x5000, v0  }
0xbc: {  	v14 =	vadd.s32 $0x400, v48;
	v11 =	vld.idx.msk [tilespmem:v11+s2+$0x0], $0xffff;
	[tilespmem:s21+$0xF410] =	vst v10  }
0xbd: {  	v10 =	vadd.s32 $0x2800, v13;
	[tilespmem:s18+$0x8410] =	vst v16;
	v16 =	vld.idx.msk [tilespmem:v17+s2+$0x0], $0xffff  }
0xbe: {  	v15 =	vadd.s32 $0x2C00, v1;
	v5 =	vld.idx.msk [tilespmem:v5+s2+$0x0], $0xffff;
	[tilespmem:s13+$0xD010] =	vst v9  }
0xbf: {  	v17 =	vld.idx.msk [tilespmem:v18+s2+$0x0], $0xffff;
	v18 =	vadd.s32 $0x4C00, v6;
	[tilespmem:s18+$0x8400] =	vst v12  }
0xc0: {  	v9 =	vadd.s32 $0x7800, v4;
	v8 =	vld.idx.msk [tilespmem:v8+s2+$0x0], $0xffff;
	[tilespmem:s17+$0xA800] =	vst v7  }
0xc1: {  	v12 =	vld.idx.msk [tilespmem:v14+s2+$0x0], $0xffff;
	v14 =	vadd.s32 $0x800, v2;
	[tilespmem:s16+$0xAC10] =	vst v11  }
0xc2: {  	v11 =	vadd.s32 $0x800, v48;
	v7 =	vld.idx.msk [tilespmem:v10+s2+$0x0], $0xffff;
	[tilespmem:s14+$0xCC00] =	vst v16  }
0xc3: {  	v10 =	vadd.s32 $0x5400, v0;
	v15 =	vld.idx.msk [tilespmem:v15+s2+$0x0], $0xffff;
	[tilespmem:s21+$0xF810] =	vst v5  }
0xc4: {  	s20 =	simm.s32 $0x60;
	v5 =	vadd.s32 $0x2C00, v13;
	[tilespmem:s18+$0x8810] =	vst v17;
	v17 =	vld.idx.msk [tilespmem:v18+s2+$0x0], $0xffff  }
0xc5: {  	s19 =	sand.u32 $0x3E0, s20;
	v16 =	vadd.s32 $0x3000, v1;
	v9 =	vld.idx.msk [tilespmem:v9+s2+$0x0], $0xffff;
	[tilespmem:s13+$0xD410] =	vst v8  }
0xc6: {  	v4 =	vadd.s32 $0x7C00, v4;
	v14 =	vld.idx.msk [tilespmem:v14+s2+$0x0], $0xffff;
	[tilespmem:s19+$0x8800] =	vst v12  }
0xc7: {  	v8 =	vadd.s32 $0x5000, v6;
	v11 =	vld.idx.msk [tilespmem:v11+s2+$0x0], $0xffff;
	[tilespmem:s17+$0xAC00] =	vst v7  }
0xc8: {  	v12 =	vadd.s32 $0xC00, v2;
	v10 =	vld.idx.msk [tilespmem:v10+s2+$0x0], $0xffff;
	[tilespmem:s16+$0xB010] =	vst v15  }
0xc9: {  	v15 =	vadd.s32 $0xC00, v48;
	v5 =	vld.idx.msk [tilespmem:v5+s2+$0x0], $0xffff;
	[tilespmem:s14+$0xD000] =	vst v17  }
0xca: {  	v7 =	vadd.s32 $0x5800, v0;
	v16 =	vld.idx.msk [tilespmem:v16+s2+$0x0], $0xffff;
	[tilespmem:s21+$0xFC10] =	vst v9  }
0xcb: {  	v9 =	vadd.s32 $0x3000, v13;
	v4 =	vld.idx.msk [tilespmem:v4+s2+$0x0], $0xffff;
	[tilespmem:s18+$0x8C10] =	vst v14  }
0xcc: {  	v14 =	vadd.s32 $0x3400, v1;
	v8 =	vld.idx.msk [tilespmem:v8+s2+$0x0], $0xffff;
	[tilespmem:s19+$0x8C00] =	vst v11  }
0xcd: {  	v17 =	vadd.s32 $0x6C00, v3;
	v12 =	vld.idx.msk [tilespmem:v12+s2+$0x0], $0xffff;
	[tilespmem:s13+$0xD810] =	vst v10  }
0xce: {  	v10 =	vadd.s32 $0x5400, v6;
	v11 =	vld.idx.msk [tilespmem:v15+s2+$0x0], $0xffff;
	[tilespmem:s17+$0xB000] =	vst v5  }
0xcf: {  	v15 =	vadd.s32 $0x1000, v2;
	v7 =	vld.idx.msk [tilespmem:v7+s2+$0x0], $0xffff;
	[tilespmem:s16+$0xB410] =	vst v16  }
0xd0: {  	v16 =	vadd.s32 $0x1000, v48;
	v5 =	vld.idx.msk [tilespmem:v9+s2+$0x0], $0xffff;
	[tilespmem:s21+$0x10010] =	vst v4  }
0xd1: {  	v9 =	vadd.s32 $0x5C00, v0;
	v14 =	vld.idx.msk [tilespmem:v14+s2+$0x0], $0xffff;
	[tilespmem:s14+$0xD400] =	vst v8  }
0xd2: {  	v4 =	vadd.s32 $0x3400, v13;
	v8 =	vld.idx.msk [tilespmem:v17+s2+$0x0], $0xffff;
	[tilespmem:s18+$0x9010] =	vst v12  }
0xd3: {  	v12 =	vadd.s32 $0x3800, v1;
	v10 =	vld.idx.msk [tilespmem:v10+s2+$0x0], $0xffff;
	[tilespmem:s19+$0x9000] =	vst v11  }
0xd4: {  	v17 =	vadd.s32 $0x7000, v3;
	v15 =	vld.idx.msk [tilespmem:v15+s2+$0x0], $0xffff;
	[tilespmem:s13+$0xDC10] =	vst v7  }
0xd5: {  	v7 =	vadd.s32 $0x5800, v6;
	v11 =	vld.idx.msk [tilespmem:v16+s2+$0x0], $0xffff;
	[tilespmem:s17+$0xB400] =	vst v5  }
0xd6: {  	v16 =	vadd.s32 $0x1400, v2;
	v9 =	vld.idx.msk [tilespmem:v9+s2+$0x0], $0xffff;
	[tilespmem:s16+$0xB810] =	vst v14  }
0xd7: {  	v5 =	vadd.s32 $0x6000, v0;
	v4 =	vld.idx.msk [tilespmem:v4+s2+$0x0], $0xffff;
	[tilespmem:s15+$0xF000] =	vst v8  }
0xd8: {  	v14 =	vadd.s32 $0x1400, v48;
	v12 =	vld.idx.msk [tilespmem:v12+s2+$0x0], $0xffff;
	[tilespmem:s14+$0xD800] =	vst v10  }
0xd9: {  	v10 =	vld.idx.msk [tilespmem:v17+s2+$0x0], $0xffff;
	[tilespmem:s18+$0x9410] =	vst v15  }
0xda: {  	v8 =	vadd.s32 $0x3800, v13;
	v17 =	vld.idx.msk [tilespmem:v7+s2+$0x0], $0xffff;
	[tilespmem:s19+$0x9400] =	vst v11  }
0xdb: {  	v19 =	vadd.s32 $0x7800, v3;
	v15 =	vadd.s32 $0x3C00, v1;
	v16 =	vld.idx.msk [tilespmem:v16+s2+$0x0], $0xffff;
	[tilespmem:s13+$0xE010] =	vst v9  }
0xdc: {  	v49 =	vadd.s32 $0x7C00, v3;
	v18 =	vadd.s32 $0x7400, v3;
	v3 =	vadd.s32 $0x6C00, v6;
	v21 =	vld.idx.msk [tilespmem:v5+s2+$0x0], $0xffff;
	[tilespmem:s17+$0xB800] =	vst v4  }
0xdd: {  	v20 =	vadd.s32 $0x5C00, v6;
	v14 =	vld.idx.msk [tilespmem:v14+s2+$0x0], $0xffff;
	[tilespmem:$0x1FF90] =	vst v3  }
0xde: {  	[tilespmem:s16+$0xBC10] =	vst v12  }
0xdf: {  	v8 =	vld.idx.msk [tilespmem:v8+s2+$0x0], $0xffff;
	[tilespmem:s15+$0xF400] =	vst v10  }
0xe0: {  	v15 =	vld.idx.msk [tilespmem:v15+s2+$0x0], $0xffff;
	[tilespmem:s14+$0xDC00] =	vst v17  }
0xe1: {  	v22 =	vadd.s32 $0x6000, v6;
	v23 =	vadd.s32 $0x1800, v2;
	v3 =	vadd.s32 $0x4800, v13;
	v17 =	vld.idx.msk [tilespmem:v18+s2+$0x0], $0xffff;
	[tilespmem:s18+$0x9810] =	vst v16  }
0xe2: {  	v50 =	vadd.s32 $0x6400, v6;
	v63 =	vadd.s32 $0x7000, v6;
	v32 =	vld.idx.msk [tilespmem:v20+s2+$0x0], $0xffff;
	[tilespmem:$0x1FFA0] =	vst v3;
	v3 =	vadd.s32 $0x4C00, v13  }
0xe3: {  	v60 =	vadd.s32 $0x7400, v6;
	v12 =	vadd.s32 $0x6400, v0;
	[tilespmem:$0x1FFB0] =	vst v3;
	v3 =	vadd.s32 $0x5000, v13  }
0xe4: {  	v26 =	vadd.s32 $0x1800, v48;
	v37 =	vadd.s32 $0x7800, v6;
	v31 =	vadd.s32 $0x7C00, v6;
	[tilespmem:$0x1FFC0] =	vst v3  }
0xe5: {  	v9 =	vadd.s32 $0x6800, v6;
	v6 =	vadd.s32 $0x3C00, v13;
	v3 =	vadd.s32 $0x5400, v13;
	[tilespmem:s13+$0xE410] =	vst v21  }
0xe6: {  	v30 =	vadd.s32 $0x4000, v1;
	v33 =	vld.idx.msk [tilespmem:v23+s2+$0x0], $0xffff;
	[tilespmem:$0x1FFD0] =	vst v3  }
0xe7: {  	[tilespmem:s19+$0x9800] =	vst v14  }
0xe8: {  	v28 =	vadd.s32 $0x4000, v13;
	v25 =	vadd.s32 $0x5800, v13;
	v51 =	vadd.s32 $0x1C00, v48;
	v34 =	vld.idx.msk [tilespmem:v12+s2+$0x0], $0xffff;
	[tilespmem:s17+$0xBC00] =	vst v8  }
0xe9: {  	v35 =	vadd.s32 $0x1C00, v2;
	v7 =	vadd.s32 $0x4400, v13;
	v11 =	vadd.s32 $0x6400, v13;
	[tilespmem:s16+$0xC010] =	vst v15;
	v26 =	vld.idx.msk [tilespmem:v26+s2+$0x0], $0xffff  }
0xea: {  	v10 =	vadd.s32 $0x6800, v13;
	v18 =	vadd.s32 $0x7000, v13;
	v15 =	vadd.s32 $0x6800, v0;
	[tilespmem:s15+$0xF800] =	vst v17;
	v36 =	vld.idx.msk [tilespmem:v6+s2+$0x0], $0xffff  }
0xeb: {  	v16 =	vadd.s32 $0x7400, v13;
	v20 =	vadd.s32 $0x6C00, v13;
	v23 =	vadd.s32 $0x5C00, v13;
	[tilespmem:s14+$0xE000] =	vst v32;
	v3 =	vld.idx.msk [tilespmem:v30+s2+$0x0], $0xffff  }
0xec: {  	v21 =	vadd.s32 $0x6000, v13;
	v14 =	vadd.s32 $0x7800, v13;
	v12 =	vadd.s32 $0x7C00, v13;
	v13 =	vld.idx.msk [tilespmem:v19+s2+$0x0], $0xffff;
	[tilespmem:s18+$0x9C10] =	vst v33  }
0xed: {  	v47 =	vadd.s32 $0x2000, v48;
	v19 =	vld.idx.msk [tilespmem:v22+s2+$0x0], $0xffff;
	[tilespmem:s13+$0xE810] =	vst v34  }
0xee: {  	v45 =	vadd.s32 $0x2400, v48;
	v44 =	vadd.s32 $0x2800, v48;
	v17 =	vadd.s32 $0x4400, v1;
	v53 =	vld.idx.msk [tilespmem:v35+s2+$0x0], $0xffff;
	[tilespmem:s19+$0x9C00] =	vst v26  }
0xef: {  	v43 =	vadd.s32 $0x2C00, v48;
	v42 =	vadd.s32 $0x3000, v48;
	v4 =	vadd.s32 $0x4C00, v48;
	v56 =	vld.idx.msk [tilespmem:v15+s2+$0x0], $0xffff;
	[tilespmem:s17+$0xC000] =	vst v36  }
0xf0: {  	v41 =	vadd.s32 $0x3400, v48;
	v40 =	vadd.s32 $0x3800, v48;
	v55 =	vld.idx.msk [tilespmem:v51+s2+$0x0], $0xffff;
	[tilespmem:$0x1FFE0] =	vst v4;
	v4 =	vadd.s32 $0x5000, v48  }
0xf1: {  	v39 =	vadd.s32 $0x3C00, v48;
	v46 =	vadd.s32 $0x4400, v48;
	v62 =	vadd.s32 $0x2000, v2;
	[tilespmem:$0x1FFF0] =	vst v4  }
0xf2: {  	v38 =	vadd.s32 $0x4800, v48;
	v24 =	vadd.s32 $0x6000, v48;
	v27 =	vadd.s32 $0x6800, v48;
	v52 =	vld.idx.msk [tilespmem:v28+s2+$0x0], $0xffff;
	[tilespmem:s16+$0xC410] =	vst v3  }
0xf3: {  	v29 =	vadd.s32 $0x6C00, v48;
	v32 =	vadd.s32 $0x7000, v48;
	v6 =	vadd.s32 $0x4000, v48;
	[tilespmem:s15+$0xFC00] =	vst v13;
	v54 =	vld.idx.msk [tilespmem:v17+s2+$0x0], $0xffff  }
0xf4: {  	v30 =	vadd.s32 $0x5400, v48;
	v22 =	vadd.s32 $0x6400, v48;
	v36 =	vadd.s32 $0x5800, v48;
	[tilespmem:s14+$0xE400] =	vst v19;
	v49 =	vld.idx.msk [tilespmem:v49+s2+$0x0], $0xffff  }
0xf5: {  	v26 =	vadd.s32 $0x5C00, v48;
	v15 =	vadd.s32 $0x7800, v48;
	[tilespmem:s18+$0xA010] =	vst v53;
	v13 =	vadd.s32 $0x7C00, v48;
	v50 =	vld.idx.msk [tilespmem:v50+s2+$0x0], $0xffff  }
0xf6: {  	s22 =	simm.s32 $0x200;
	s21 =	simm.s32 $0x6;
	v53 =	vadd.s32 $0x4800, v1;
	v17 =	vadd.s32 $0x7400, v48;
	v48 =	vadd.s32 $0x6C00, v0;
	v51 =	vld.idx.msk [tilespmem:v62+s2+$0x0], $0xffff;
	[tilespmem:s13+$0xEC10] =	vst v56  }
.LBB2_2:
0xf7: {  	[tilespmem:$0x1FED0] =	vst v24  }
0xf8: {  	[tilespmem:$0x1FEC0] =	vst v37  }
0xf9: {  	[tilespmem:$0x1FF60] =	vst v13  }
0xfa: {  	[tilespmem:$0x1FF50] =	vst v12  }
0xfb: {  	[tilespmem:$0x1FEF0] =	vst v6  }
0xfc: {  	[tilespmem:$0x1FF70] =	vst v11  }
0xfd: {  	[tilespmem:$0x1FF40] =	vst v31  }
0xfe: {  	[tilespmem:s19+$0xA000] =	vst v55  }
0xff: {  	s23 =	sshra.s32 s22, $0x2;
	v48 =	vld.idx.msk [tilespmem:v48+s2+$0x0], $0xffff;
	v5 =	vmov v46;
	[tilespmem:s17+$0xC400] =	vst v52  }
0x100: {  	v34 =	vadd.s32 $0x2400, v2;
	v3 =	vld [tilespmem:s23+$0x8010];
	[tilespmem:$0x1FF30] =	vst v5  }
0x101: {  	v35 =	vadd.s32 $0x7000, v0;
	v4 =	vld [tilespmem:s23+$0x8000];
	[tilespmem:s15+$0x10000] =	vst v49  }
0x102: {  	s15 =	smov.u32 s14;
	[tilespmem:s16+$0xC810] =	vst v54;
	v49 =	vld.idx.msk [tilespmem:v47+s2+$0x0], $0xffff  }
0x103: {  	[tilespmem:s15+$0xE800] =	vst v50;
	v53 =	vld.idx.msk [tilespmem:v53+s2+$0x0], $0xffff  }
0x104: {  	[tilespmem:s18+$0xA410] =	vst v51;
	v51 =	vld.idx.msk [tilespmem:v7+s2+$0x0], $0xffff  }
0x105: {  	v56 =	vadd.s32 $0x4C00, v1;
	v7 =	vmov v27;
	v46 =	vld.idx.msk [tilespmem:v34+s2+$0x0], $0xffff;
	[tilespmem:s13+$0xF010] =	vst v48  }
0x106: {  	v59 =	vadd.s32 $0x2800, v2;
	[tilespmem:$0x1FF20] =	vst v7;
	v37 =	vld.idx.msk [tilespmem:v35+s2+$0x0], $0xffff;
	v7 =	vadd.s32 $0x1C00, v4  }
0x107: {  	s14 =	smov.u32 s17;
	s17 =	smov.u32 s19;
	v61 =	vld.idx.msk [tilespmem:v9+s2+$0x0], $0xffff;
	v34 =	vadd.s32 $0x7400, v0;
	[tilespmem:$0x1FEE0] =	vst v7  }
0x108: {  	[tilespmem:s17+$0xA400] =	vst v49;
	v35 =	vld.idx.msk [tilespmem:v3+s2+$0x0], $0xffff  }
0x109: {  	[tilespmem:s16+$0xCC10] =	vst v53  }
0x10a: {  	v7 =	vld.idx.msk [tilespmem:v56+s2+$0x0], $0xffff;
	[tilespmem:s18+$0xA810] =	vst v46  }
0x10b: {  	v6 =	vmov v10;
	v49 =	vmov v14;
	v14 =	vld.idx.msk [tilespmem:v59+s2+$0x0], $0xffff;
	[tilespmem:s13+$0xF410] =	vst v37  }
0x10c: {  	v31 =	vmov v17;
	[tilespmem:$0x1FF00] =	vst v6;
	v17 =	vld.idx.msk [tilespmem:v34+s2+$0x0], $0xffff  }
0x10d: {  	v13 =	vadd.s32 $0x5000, v1;
	v11 =	vadd.s32 $0x400, v3;
	v6 =	vadd.s32 $0x1800, v4;
	[tilespmem:s23+$0x8410] =	vst v35;
	v35 =	vmovc v29;
	v29 =	vmovc v20;
	v20 =	vld [tilespmem:$0x1FFA0]  }
0x10e: {  	v19 =	vadd.s32 $0x2C00, v2;
	v50 =	vmovc v26;
	v57 =	vadd.s32 $0x400, v4;
	v27 =	vadd.s32 $0x4000, v4;
	[tilespmem:$0x1FEB0] =	vst v6  }
0x10f: {  	v26 =	vmovc v25;
	v25 =	vmovc v63;
	v5 =	vadd.s32 $0x800, v4;
	v63 =	vadd.s32 $0xC00, v4;
	v58 =	vadd.s32 $0x1000, v4;
	[tilespmem:$0x1FF10] =	vst v27  }
0x110: {  	v54 =	vadd.s32 $0x1400, v4;
	v47 =	vadd.s32 $0x2000, v4;
	v48 =	vadd.s32 $0x2400, v4;
	v8 =	vld.idx.msk [tilespmem:v4+s2+$0x0], $0xffff;
	[tilespmem:s14+$0xC800] =	vst v51  }
0x111: {  	v24 =	vmovc v60;
	v9 =	vadd.s32 $0x2C00, v4;
	v10 =	vadd.s32 $0x3000, v4;
	v60 =	vadd.s32 $0x3400, v4;
	v12 =	vld.idx.msk [tilespmem:v45+s2+$0x0], $0xffff;
	[tilespmem:s15+$0xEC00] =	vst v61  }
0x112: {  	v28 =	vmovc v18;
	v33 =	vmovc v38;
	v52 =	vadd.s32 $0x3C00, v4;
	v18 =	vadd.s32 $0x5400, v4;
	v62 =	vadd.s32 $0x5800, v4;
	v11 =	vld.idx.msk [tilespmem:v11+s2+$0x0], $0xffff;
	[tilespmem:s16+$0xD010] =	vst v7  }
0x113: {  	v55 =	vadd.s32 $0x6000, v4;
	v6 =	vadd.s32 $0x2800, v4;
	v27 =	vadd.s32 $0x6800, v4;
	[tilespmem:$0x1FFA0] =	vst v33;
	v13 =	vld.idx.msk [tilespmem:v13+s2+$0x0], $0xffff  }
0x114: {  	v53 =	vadd.s32 $0x7C00, v4;
	v56 =	vadd.s32 $0x3800, v4;
	v46 =	vadd.s32 $0x4400, v4;
	v51 =	vmovc v22;
	[tilespmem:s18+$0xAC10] =	vst v14;
	v14 =	vld [tilespmem:$0x1FFB0]  }
0x115: {  	v22 =	vadd.s32 $0x7000, v4;
	v45 =	vmovc v48;
	v59 =	vadd.s32 $0x4800, v4;
	v48 =	vmovc v15;
	v15 =	vadd.s32 $0x4C00, v4;
	v20 =	vld.idx.msk [tilespmem:v20+s2+$0x0], $0xffff;
	[tilespmem:s23+$0x8400] =	vst v8  }
0x116: {  	v37 =	vmovc v16;
	v16 =	vadd.s32 $0x5000, v4;
	v61 =	vadd.s32 $0x7400, v4;
	v33 =	vmovc v21;
	v8 =	vadd.s32 $0x6400, v4;
	v21 =	vld.idx.msk [tilespmem:v57+s2+$0x0], $0xffff;
	[tilespmem:s17+$0xA800] =	vst v12  }
0x117: {  	v38 =	vmovc v59;
	v59 =	vadd.s32 $0x5C00, v4;
	[tilespmem:$0x1FF80] =	vst v8;
	v8 =	vadd.s32 $0x6C00, v4;
	v57 =	vadd.s32 $0x7800, v4;
	v4 =	vld.idx.msk [tilespmem:v44+s2+$0x0], $0xffff  }
0x118: {  	v7 =	vadd.s32 $0x7800, v0;
	v44 =	vmov v6;
	v6 =	vld.idx.msk [tilespmem:v19+s2+$0x0], $0xffff  }
0x119: {  	v19 =	vld [tilespmem:$0x1FFE0];
	_ =	sdelay $0x2  }
0x11a: {  	v34 =	vmov v23;
	v23 =	vadd.s32 $0x800, v3;
	[tilespmem:s13+$0xF810] =	vst v17  }
0x11b: {  	s20 =	sadd.s32 $0x20, s20;
	v7 =	vld.idx.msk [tilespmem:v7+s2+$0x0], $0xffff;
	[tilespmem:s23+$0x8810] =	vst v11  }
0x11c: {  	s19 =	sand.u32 $0x3E0, s20;
	[tilespmem:s14+$0xCC00] =	vst v20;
	v17 =	vmov v19  }
0x11d: {  	v12 =	vadd.s32 $0x5400, v1;
	v14 =	vld.idx.msk [tilespmem:v14+s2+$0x0], $0xffff;
	[tilespmem:s19+$0x8800] =	vst v21  }
0x11e: {  	v11 =	vadd.s32 $0x3000, v2;
	[tilespmem:$0x1FFB0] =	vst v17  }
0x11f: {  	v17 =	vmov v15;
	v15 =	vld.idx.msk [tilespmem:v23+s2+$0x0], $0xffff;
	[tilespmem:s16+$0xD410] =	vst v13;
	v13 =	vadd.s32 $0x7C00, v0  }
0x120: {  	v5 =	vld.idx.msk [tilespmem:v5+s2+$0x0], $0xffff;
	[tilespmem:s17+$0xAC00] =	vst v4  }
0x121: {  	v4 =	vld.idx.msk [tilespmem:v43+s2+$0x0], $0xffff  }
0x122: {  	v0 =	vmov v1;
	v1 =	vmov v2;
	v2 =	vmov v3;
	v3 =	vld.idx.msk [tilespmem:v12+s2+$0x0], $0xffff;
	[tilespmem:s18+$0xB010] =	vst v6  }
0x123: {  	v43 =	vmov v9;
	v9 =	vld.idx.msk [tilespmem:v11+s2+$0x0], $0xffff;
	[tilespmem:s13+$0xFC10] =	vst v7  }
0x124: {  	v7 =	vld.idx.msk [tilespmem:v13+s2+$0x0], $0xffff  }
0x125: {  	v13 =	vld [tilespmem:$0x1FFC0]  }
0x126: {  	v12 =	vadd.s32 $0xC00, v2  }
0x127: {  	v6 =	vadd.s32 $0x5800, v0;
	_ =	sdelay $0x2  }
0x128: {  	[tilespmem:s23+$0x8C10] =	vst v15  }
0x129: {  	v11 =	vadd.s32 $0x3400, v1;
	v12 =	vld.idx.msk [tilespmem:v12+s2+$0x0], $0xffff;
	[tilespmem:s16+$0xD810] =	vst v3  }
0x12a: {  	[tilespmem:s14+$0xD000] =	vst v14;
	v3 =	vld.idx.msk [tilespmem:v6+s2+$0x0], $0xffff  }
0x12b: {  	v13 =	vld.idx.msk [tilespmem:v13+s2+$0x0], $0xffff;
	[tilespmem:s19+$0x8C00] =	vst v5  }
0x12c: {  	v5 =	vld.idx.msk [tilespmem:v63+s2+$0x0], $0xffff;
	[tilespmem:s17+$0xB000] =	vst v4  }
0x12d: {  	[tilespmem:s18+$0xB410] =	vst v9;
	v4 =	vld.idx.msk [tilespmem:v42+s2+$0x0], $0xffff  }
0x12e: {  	v42 =	vmov v10;
	v10 =	vld.idx.msk [tilespmem:v11+s2+$0x0], $0xffff  }
0x12f: {  	[tilespmem:s13+$0x10010] =	vst v7;
	v7 =	vld [tilespmem:$0x1FF90];
	v11 =	vmov v29  }
0x130: {  	[tilespmem:$0x1FF90] =	vst v11;
	v11 =	vld [tilespmem:$0x1FFD0];
	_ =	sdelay $0x5  }
0x131: {  	[tilespmem:s14+$0xD400] =	vst v13  }
0x132: {  	v7 =	vld.idx.msk [tilespmem:v7+s2+$0x0], $0xffff  }
0x133: {  	v11 =	vld.idx.msk [tilespmem:v11+s2+$0x0], $0xffff;
	_ =	sdelay $0x1  }
0x134: {  	[tilespmem:s19+$0x9000] =	vst v5  }
0x135: {  	v5 =	vld.idx.msk [tilespmem:v58+s2+$0x0], $0xffff;
	[tilespmem:s17+$0xB400] =	vst v4  }
0x136: {  	v4 =	vld.idx.msk [tilespmem:v41+s2+$0x0], $0xffff;
	[tilespmem:s15+$0xF000] =	vst v7  }
0x137: {  	[tilespmem:s14+$0xD800] =	vst v11  }
0x138: {  	v7 =	vld.idx.msk [tilespmem:v25+s2+$0x0], $0xffff  }
0x139: {  	v11 =	vld.idx.msk [tilespmem:v26+s2+$0x0], $0xffff;
	_ =	sdelay $0x1  }
0x13a: {  	[tilespmem:s19+$0x9400] =	vst v5  }
0x13b: {  	v5 =	vld.idx.msk [tilespmem:v54+s2+$0x0], $0xffff;
	[tilespmem:s17+$0xB800] =	vst v4  }
0x13c: {  	v4 =	vld.idx.msk [tilespmem:v40+s2+$0x0], $0xffff;
	[tilespmem:s15+$0xF400] =	vst v7  }
0x13d: {  	[tilespmem:s14+$0xDC00] =	vst v11  }
0x13e: {  	v7 =	vld.idx.msk [tilespmem:v24+s2+$0x0], $0xffff  }
0x13f: {  	v11 =	vld.idx.msk [tilespmem:v34+s2+$0x0], $0xffff  }
0x140: {  	[tilespmem:s19+$0x9800] =	vst v5;
	v5 =	vld [tilespmem:$0x1FEB0];
	_ =	sdelay $0x7  }
0x141: {  	v5 =	vld.idx.msk [tilespmem:v5+s2+$0x0], $0xffff;
	[tilespmem:s17+$0xBC00] =	vst v4  }
0x142: {  	v4 =	vld.idx.msk [tilespmem:v39+s2+$0x0], $0xffff  }
0x143: {  	[tilespmem:s15+$0xF800] =	vst v7;
	v7 =	vld [tilespmem:$0x1FEC0];
	_ =	sdelay $0x4  }
0x144: {  	v6 =	vadd.s32 $0x1000, v2  }
0x145: {  	v9 =	vadd.s32 $0x5C00, v0;
	[tilespmem:s14+$0xE000] =	vst v11  }
0x146: {  	s13 =	smov.u32 s16;
	s16 =	smov.u32 s18;
	s18 =	smov.u32 s23;
	v11 =	vld.idx.msk [tilespmem:v33+s2+$0x0], $0xffff  }
0x147: {  	[tilespmem:s18+$0x9010] =	vst v12;
	v7 =	vld.idx.msk [tilespmem:v7+s2+$0x0], $0xffff  }
0x148: {  	[tilespmem:s19+$0x9C00] =	vst v5;
	v5 =	vld [tilespmem:$0x1FEE0]  }
0x149: {  	v29 =	vmov v8;
	v8 =	vadd.s32 $0x3800, v1;
	v6 =	vld.idx.msk [tilespmem:v6+s2+$0x0], $0xffff;
	[tilespmem:s13+$0xDC10] =	vst v3  }
0x14a: {  	v3 =	vld.idx.msk [tilespmem:v9+s2+$0x0], $0xffff;
	v9 =	vadd.s32 $0x1400, v2;
	_ =	sdelay $0x2  }
0x14b: {  	[tilespmem:s16+$0xB810] =	vst v10;
	v10 =	vadd.s32 $0x6000, v0  }
0x14c: {  	v8 =	vld.idx.msk [tilespmem:v8+s2+$0x0], $0xffff;
	[tilespmem:s18+$0x9410] =	vst v6  }
0x14d: {  	v6 =	vadd.s32 $0x3C00, v1;
	v9 =	vld.idx.msk [tilespmem:v9+s2+$0x0], $0xffff  }
0x14e: {  	[tilespmem:s13+$0xE010] =	vst v3;
	v24 =	vmov v55;
	v55 =	vld.idx.msk [tilespmem:v5+s2+$0x0], $0xffff  }
0x14f: {  	[tilespmem:s17+$0xC000] =	vst v4;
	v4 =	vld [tilespmem:$0x1FEF0]  }
0x150: {  	v3 =	vld.idx.msk [tilespmem:v10+s2+$0x0], $0xffff;
	v10 =	vadd.s32 $0x1800, v2  }
0x151: {  	[tilespmem:s16+$0xBC10] =	vst v8;
	v8 =	vadd.s32 $0x6400, v0  }
0x152: {  	v6 =	vld.idx.msk [tilespmem:v6+s2+$0x0], $0xffff;
	_ =	sdelay $0x1  }
0x153: {  	[tilespmem:s18+$0x9810] =	vst v9  }
0x154: {  	v9 =	vadd.s32 $0x4000, v1;
	v10 =	vld.idx.msk [tilespmem:v10+s2+$0x0], $0xffff;
	[tilespmem:s13+$0xE410] =	vst v3  }
0x155: {  	v3 =	vld.idx.msk [tilespmem:v8+s2+$0x0], $0xffff;
	v8 =	vadd.s32 $0x1C00, v2  }
0x156: {  	[tilespmem:s16+$0xC010] =	vst v6;
	v6 =	vadd.s32 $0x6800, v0;
	v39 =	vmov v52;
	v52 =	vld.idx.msk [tilespmem:v4+s2+$0x0], $0xffff  }
0x157: {  	v4 =	vld [tilespmem:$0x1FF10];
	_ =	sdelay $0x1  }
0x158: {  	v9 =	vld.idx.msk [tilespmem:v9+s2+$0x0], $0xffff;
	[tilespmem:s18+$0x9C10] =	vst v10  }
0x159: {  	v8 =	vld.idx.msk [tilespmem:v8+s2+$0x0], $0xffff;
	[tilespmem:s13+$0xE810] =	vst v3  }
0x15a: {  	v3 =	vld.idx.msk [tilespmem:v6+s2+$0x0], $0xffff  }
0x15b: {  	v6 =	vmov v4;
	v4 =	vld [tilespmem:$0x1FF40];
	_ =	sdelay $0x5  }
0x15c: {  	v15 =	vld [tilespmem:$0x1FFF0];
	[tilespmem:s15+$0xFC00] =	vst v7  }
0x15d: {  	[tilespmem:s14+$0xE400] =	vst v11  }
0x15e: {  	v41 =	vmov v60;
	v60 =	vmov v37;
	v37 =	vmov v49;
	v49 =	vld.idx.msk [tilespmem:v4+s2+$0x0], $0xffff  }
0x15f: {  	v4 =	vld [tilespmem:$0x1FF50];
	_ =	sdelay $0x1  }
0x160: {  	v14 =	vmov v15  }
0x161: {  	v12 =	vmov v30  }
0x162: {  	[tilespmem:$0x1FFD0] =	vst v12;
	v12 =	vld [tilespmem:$0x1FED0]  }
0x163: {  	[tilespmem:$0x1FFC0] =	vst v14;
	v14 =	vmov v16;
	v16 =	vmov v31;
	v31 =	vmov v4;
	v4 =	vld [tilespmem:$0x1FF60];
	_ =	sdelay $0x4  }
0x164: {  	v21 =	vmov v12;
	v12 =	vmov v4;
	v4 =	vld [tilespmem:$0x1FF70];
	_ =	sdelay $0x5  }
0x165: {  	v10 =	vadd.s32 $0x4400, v1;
	_ =	sdelay $0x1  }
0x166: {  	s21 =	sadd.s32 $0x2, s21;
	v23 =	vmov v50;
	v50 =	vld.idx.msk [tilespmem:v4+s2+$0x0], $0xffff  }
0x167: {  	p0 =	slt.u32 s21, $0x3E;
	v5 =	vadd.s32 $0x2000, v2;
	v4 =	vld [tilespmem:$0x1FF80]  }
.Ltmp0:
0x168: {  	[tilespmem:s16+$0xC410] =	vst v9;
	v9 =	vld [tilespmem:$0x1FF00];
	(pc) =	sbr.rel @p0 .LBB2_2-.Ltmp0, $4  }
0x169: {  	v20 =	vmov v35;
	[tilespmem:$0x1FFE0] =	vst v17;
	v17 =	vmov v61;
	v54 =	vld.idx.msk [tilespmem:v10+s2+$0x0], $0xffff  }
0x16a: {  	v15 =	vmovc v57;
	[tilespmem:$0x1FFF0] =	vst v14;
	v63 =	vmovc v28;
	v30 =	vmov v18;
	v18 =	vmov v32;
	v32 =	vmov v22;
	v10 =	vld [tilespmem:$0x1FF20]  }
0x16b: {  	v14 =	vmovc v48;
	v48 =	vadd.s32 $0x6C00, v0;
	v13 =	vmovc v53;
	v53 =	vadd.s32 $0x4800, v1;
	v25 =	vmov v36;
	[tilespmem:s18+$0xA010] =	vst v8;
	v7 =	vld [tilespmem:$0x1FF30]  }
0x16c: {  	s22 =	sadd.s32 $0x80, s22;
	v36 =	vmovc v62;
	v26 =	vmovc v59;
	v40 =	vmov v56;
	v11 =	vmov v51;
	v51 =	vld.idx.msk [tilespmem:v5+s2+$0x0], $0xffff;
	[tilespmem:s13+$0xEC10] =	vst v3;
	v22 =	vmov v4  }
0x16d: {  	_ =	sdelay $0x2  }
0x16e: {  	[tilespmem:s19+$0xA000] =	vst v55  }
0x16f: {  	v3 =	vadd.s32 $0x2400, v2;
	v4 =	vld.idx.msk [tilespmem:v47+s2+$0x0], $0xffff;
	_ =	sdelay $0x3  }
0x170: {  	[tilespmem:s18+$0xA410] =	vst v51  }
0x171: {  	v3 =	vld.idx.msk [tilespmem:v3+s2+$0x0], $0xffff;
	[tilespmem:s19+$0xA400] =	vst v4  }
0x172: {  	v28 =	vadd.s32 $0x2800, v2;
	v5 =	vld.idx.msk [tilespmem:v45+s2+$0x0], $0xffff;
	_ =	sdelay $0x3  }
0x173: {  	[tilespmem:s18+$0xA810] =	vst v3  }
0x174: {  	v3 =	vld.idx.msk [tilespmem:v28+s2+$0x0], $0xffff;
	[tilespmem:s19+$0xA800] =	vst v5  }
0x175: {  	v33 =	vadd.s32 $0x2C00, v2;
	v5 =	vld.idx.msk [tilespmem:v44+s2+$0x0], $0xffff;
	_ =	sdelay $0x3  }
0x176: {  	[tilespmem:s18+$0xAC10] =	vst v3  }
0x177: {  	v3 =	vld.idx.msk [tilespmem:v33+s2+$0x0], $0xffff;
	[tilespmem:s19+$0xAC00] =	vst v5  }
0x178: {  	v34 =	vadd.s32 $0x3000, v2;
	v5 =	vld.idx.msk [tilespmem:v43+s2+$0x0], $0xffff;
	_ =	sdelay $0x3  }
0x179: {  	[tilespmem:s18+$0xB010] =	vst v3  }
0x17a: {  	v3 =	vld.idx.msk [tilespmem:v34+s2+$0x0], $0xffff;
	[tilespmem:s19+$0xB000] =	vst v5  }
0x17b: {  	v35 =	vadd.s32 $0x3400, v2;
	v5 =	vld.idx.msk [tilespmem:v42+s2+$0x0], $0xffff;
	_ =	sdelay $0x3  }
0x17c: {  	[tilespmem:s18+$0xB410] =	vst v3  }
0x17d: {  	v3 =	vld.idx.msk [tilespmem:v35+s2+$0x0], $0xffff;
	[tilespmem:s19+$0xB400] =	vst v5  }
0x17e: {  	v43 =	vadd.s32 $0x3800, v2;
	v5 =	vld.idx.msk [tilespmem:v41+s2+$0x0], $0xffff;
	_ =	sdelay $0x3  }
0x17f: {  	[tilespmem:s18+$0xB810] =	vst v3  }
0x180: {  	v3 =	vld.idx.msk [tilespmem:v43+s2+$0x0], $0xffff;
	[tilespmem:s19+$0xB800] =	vst v5  }
0x181: {  	v44 =	vadd.s32 $0x3C00, v2;
	v5 =	vld.idx.msk [tilespmem:v40+s2+$0x0], $0xffff;
	_ =	sdelay $0x3  }
0x182: {  	[tilespmem:s18+$0xBC10] =	vst v3  }
0x183: {  	v3 =	vld.idx.msk [tilespmem:v44+s2+$0x0], $0xffff;
	[tilespmem:s19+$0xBC00] =	vst v5  }
0x184: {  	v45 =	vadd.s32 $0x4000, v2;
	v5 =	vld.idx.msk [tilespmem:v39+s2+$0x0], $0xffff;
	_ =	sdelay $0x2  }
0x185: {  	[tilespmem:s17+$0xC400] =	vst v52  }
0x186: {  	v51 =	vld.idx.msk [tilespmem:v7+s2+$0x0], $0xffff;
	[tilespmem:s18+$0xC010] =	vst v3  }
0x187: {  	v3 =	vld.idx.msk [tilespmem:v45+s2+$0x0], $0xffff;
	[tilespmem:s19+$0xC000] =	vst v5  }
0x188: {  	v5 =	vld.idx.msk [tilespmem:v6+s2+$0x0], $0xffff;
	_ =	sdelay $0x1  }
0x189: {  	[tilespmem:s16+$0xC810] =	vst v54  }
0x18a: {  	[tilespmem:s17+$0xC800] =	vst v51  }
0x18b: {  	[tilespmem:s18+$0xC410] =	vst v3  }
0x18c: {  	[tilespmem:s19+$0xC400] =	vst v5  }
0x18d: {  	v8 =	vld [tilespmem:$0x1FFA0]  }
0x18e: {  	v47 =	vadd.s32 $0x4400, v2;
	_ =	sdelay $0x3  }
0x18f: {  	v55 =	vld.idx.msk [tilespmem:v53+s2+$0x0], $0xffff  }
0x190: {  	v3 =	vld.idx.msk [tilespmem:v47+s2+$0x0], $0xffff  }
0x191: {  	v5 =	vld.idx.msk [tilespmem:v46+s2+$0x0], $0xffff  }
0x192: {  	v52 =	vadd.s32 $0x4800, v2;
	v8 =	vld.idx.msk [tilespmem:v8+s2+$0x0], $0xffff;
	_ =	sdelay $0x1  }
0x193: {  	[tilespmem:s16+$0xCC10] =	vst v55  }
0x194: {  	[tilespmem:s18+$0xC810] =	vst v3  }
0x195: {  	[tilespmem:s19+$0xC800] =	vst v5  }
0x196: {  	v3 =	vld.idx.msk [tilespmem:v52+s2+$0x0], $0xffff;
	[tilespmem:s17+$0xCC00] =	vst v8  }
0x197: {  	v8 =	vld [tilespmem:$0x1FFB0]  }
0x198: {  	v56 =	vadd.s32 $0x4C00, v1;
	v5 =	vld.idx.msk [tilespmem:v38+s2+$0x0], $0xffff;
	_ =	sdelay $0x3  }
0x199: {  	[tilespmem:s18+$0xCC10] =	vst v3  }
0x19a: {  	v6 =	vld.idx.msk [tilespmem:v56+s2+$0x0], $0xffff;
	[tilespmem:s19+$0xCC00] =	vst v5  }
0x19b: {  	v5 =	vld [tilespmem:$0x1FFE0]  }
0x19c: {  	v57 =	vadd.s32 $0x4C00, v2;
	v8 =	vld.idx.msk [tilespmem:v8+s2+$0x0], $0xffff;
	_ =	sdelay $0x3  }
0x19d: {  	[tilespmem:s16+$0xD010] =	vst v6  }
0x19e: {  	v3 =	vld.idx.msk [tilespmem:v57+s2+$0x0], $0xffff;
	[tilespmem:s17+$0xD000] =	vst v8  }
0x19f: {  	v8 =	vld [tilespmem:$0x1FFC0]  }
0x1a0: {  	v58 =	vadd.s32 $0x5000, v1;
	v5 =	vld.idx.msk [tilespmem:v5+s2+$0x0], $0xffff;
	_ =	sdelay $0x3  }
0x1a1: {  	[tilespmem:s18+$0xD010] =	vst v3  }
0x1a2: {  	v6 =	vld.idx.msk [tilespmem:v58+s2+$0x0], $0xffff;
	[tilespmem:s19+$0xD000] =	vst v5  }
0x1a3: {  	v5 =	vld [tilespmem:$0x1FFF0]  }
0x1a4: {  	v59 =	vadd.s32 $0x5000, v2;
	v8 =	vld.idx.msk [tilespmem:v8+s2+$0x0], $0xffff;
	_ =	sdelay $0x3  }
0x1a5: {  	[tilespmem:s16+$0xD410] =	vst v6  }
0x1a6: {  	v3 =	vld.idx.msk [tilespmem:v59+s2+$0x0], $0xffff;
	[tilespmem:s17+$0xD400] =	vst v8  }
0x1a7: {  	v61 =	vadd.s32 $0x5400, v1;
	v8 =	vld [tilespmem:$0x1FFD0]  }
0x1a8: {  	v62 =	vadd.s32 $0x5400, v2;
	v5 =	vld.idx.msk [tilespmem:v5+s2+$0x0], $0xffff;
	_ =	sdelay $0x3  }
0x1a9: {  	v6 =	vld.idx.msk [tilespmem:v61+s2+$0x0], $0xffff;
	[tilespmem:s18+$0xD410] =	vst v3  }
0x1aa: {  	v19 =	vadd.s32 $0x5800, v1;
	[tilespmem:s19+$0xD400] =	vst v5;
	v3 =	vld.idx.msk [tilespmem:v62+s2+$0x0], $0xffff  }
0x1ab: {  	v28 =	vadd.s32 $0x5800, v2;
	v5 =	vld.idx.msk [tilespmem:v30+s2+$0x0], $0xffff  }
0x1ac: {  	v8 =	vld.idx.msk [tilespmem:v8+s2+$0x0], $0xffff;
	_ =	sdelay $0x1  }
0x1ad: {  	[tilespmem:s16+$0xD810] =	vst v6  }
0x1ae: {  	v6 =	vld.idx.msk [tilespmem:v19+s2+$0x0], $0xffff;
	[tilespmem:s18+$0xD810] =	vst v3  }
0x1af: {  	v33 =	vadd.s32 $0x5C00, v1;
	[tilespmem:s19+$0xD800] =	vst v5;
	v3 =	vld.idx.msk [tilespmem:v28+s2+$0x0], $0xffff  }
0x1b0: {  	v34 =	vadd.s32 $0x5C00, v2;
	v5 =	vld.idx.msk [tilespmem:v36+s2+$0x0], $0xffff;
	[tilespmem:s17+$0xD800] =	vst v8  }
0x1b1: {  	v8 =	vld.idx.msk [tilespmem:v25+s2+$0x0], $0xffff;
	_ =	sdelay $0x1  }
0x1b2: {  	[tilespmem:s16+$0xDC10] =	vst v6  }
0x1b3: {  	v6 =	vld.idx.msk [tilespmem:v33+s2+$0x0], $0xffff;
	[tilespmem:s18+$0xDC10] =	vst v3  }
0x1b4: {  	v35 =	vadd.s32 $0x6000, v1;
	[tilespmem:s19+$0xDC00] =	vst v5;
	v3 =	vld.idx.msk [tilespmem:v34+s2+$0x0], $0xffff  }
0x1b5: {  	v36 =	vadd.s32 $0x6000, v2;
	v5 =	vld.idx.msk [tilespmem:v26+s2+$0x0], $0xffff;
	[tilespmem:s17+$0xDC00] =	vst v8  }
0x1b6: {  	v8 =	vld.idx.msk [tilespmem:v23+s2+$0x0], $0xffff;
	_ =	sdelay $0x1  }
0x1b7: {  	[tilespmem:s16+$0xE010] =	vst v6  }
0x1b8: {  	v6 =	vld.idx.msk [tilespmem:v35+s2+$0x0], $0xffff;
	[tilespmem:s18+$0xE010] =	vst v3  }
0x1b9: {  	v38 =	vadd.s32 $0x6400, v1;
	[tilespmem:s19+$0xE000] =	vst v5;
	v3 =	vld.idx.msk [tilespmem:v36+s2+$0x0], $0xffff  }
0x1ba: {  	v39 =	vadd.s32 $0x6400, v2;
	v5 =	vld.idx.msk [tilespmem:v24+s2+$0x0], $0xffff;
	[tilespmem:s17+$0xE000] =	vst v8  }
0x1bb: {  	v8 =	vld.idx.msk [tilespmem:v21+s2+$0x0], $0xffff  }
0x1bc: {  	[tilespmem:s14+$0xE800] =	vst v50  }
0x1bd: {  	v9 =	vld.idx.msk [tilespmem:v9+s2+$0x0], $0xffff;
	[tilespmem:s16+$0xE410] =	vst v6  }
0x1be: {  	v6 =	vld.idx.msk [tilespmem:v38+s2+$0x0], $0xffff;
	[tilespmem:s18+$0xE410] =	vst v3  }
0x1bf: {  	v40 =	vadd.s32 $0x6800, v1;
	[tilespmem:s19+$0xE400] =	vst v5;
	v3 =	vld.idx.msk [tilespmem:v39+s2+$0x0], $0xffff  }
0x1c0: {  	v41 =	vadd.s32 $0x6800, v2;
	v5 =	vld.idx.msk [tilespmem:v22+s2+$0x0], $0xffff;
	[tilespmem:s17+$0xE400] =	vst v8  }
0x1c1: {  	[tilespmem:s15+$0x10000] =	vst v49;
	v8 =	vld.idx.msk [tilespmem:v11+s2+$0x0], $0xffff  }
0x1c2: {  	[tilespmem:s14+$0xEC00] =	vst v9  }
0x1c3: {  	[tilespmem:s16+$0xE810] =	vst v6  }
0x1c4: {  	v6 =	vld.idx.msk [tilespmem:v40+s2+$0x0], $0xffff;
	[tilespmem:s18+$0xE810] =	vst v3  }
0x1c5: {  	[tilespmem:s19+$0xE800] =	vst v5;
	v3 =	vld.idx.msk [tilespmem:v41+s2+$0x0], $0xffff  }
0x1c6: {  	v42 =	vadd.s32 $0x6C00, v1;
	v5 =	vld.idx.msk [tilespmem:v27+s2+$0x0], $0xffff;
	[tilespmem:s17+$0xE800] =	vst v8  }
0x1c7: {  	v43 =	vadd.s32 $0x6C00, v2;
	v46 =	vld [tilespmem:$0x1FF90]  }
0x1c8: {  	v8 =	vld.idx.msk [tilespmem:v10+s2+$0x0], $0xffff;
	_ =	sdelay $0x1  }
0x1c9: {  	v44 =	vld.idx.msk [tilespmem:v48+s2+$0x0], $0xffff;
	[tilespmem:s16+$0xEC10] =	vst v6  }
0x1ca: {  	v45 =	vadd.s32 $0x7000, v0;
	[tilespmem:s18+$0xEC10] =	vst v3;
	v6 =	vld.idx.msk [tilespmem:v42+s2+$0x0], $0xffff  }
0x1cb: {  	v47 =	vadd.s32 $0x7000, v1;
	[tilespmem:s19+$0xEC00] =	vst v5;
	v3 =	vld.idx.msk [tilespmem:v43+s2+$0x0], $0xffff  }
0x1cc: {  	v48 =	vadd.s32 $0x7000, v2;
	v5 =	vld.idx.msk [tilespmem:v29+s2+$0x0], $0xffff;
	[tilespmem:s17+$0xEC00] =	vst v8  }
0x1cd: {  	v8 =	vld.idx.msk [tilespmem:v20+s2+$0x0], $0xffff  }
0x1ce: {  	[tilespmem:s13+$0xF010] =	vst v44;
	v11 =	vld.idx.msk [tilespmem:v46+s2+$0x0], $0xffff  }
0x1cf: {  	v9 =	vld.idx.msk [tilespmem:v45+s2+$0x0], $0xffff;
	[tilespmem:s16+$0xF010] =	vst v6  }
0x1d0: {  	v49 =	vadd.s32 $0x7400, v0;
	[tilespmem:s18+$0xF010] =	vst v3;
	v6 =	vld.idx.msk [tilespmem:v47+s2+$0x0], $0xffff  }
0x1d1: {  	v50 =	vadd.s32 $0x7400, v1;
	[tilespmem:s19+$0xF000] =	vst v5;
	v3 =	vld.idx.msk [tilespmem:v48+s2+$0x0], $0xffff  }
0x1d2: {  	v51 =	vadd.s32 $0x7400, v2;
	v5 =	vld.idx.msk [tilespmem:v32+s2+$0x0], $0xffff;
	[tilespmem:s17+$0xF000] =	vst v8  }
0x1d3: {  	v8 =	vld.idx.msk [tilespmem:v18+s2+$0x0], $0xffff;
	[tilespmem:s14+$0xF000] =	vst v11  }
0x1d4: {  	[tilespmem:s13+$0xF410] =	vst v9;
	v11 =	vld.idx.msk [tilespmem:v63+s2+$0x0], $0xffff  }
0x1d5: {  	v9 =	vld.idx.msk [tilespmem:v49+s2+$0x0], $0xffff;
	[tilespmem:s16+$0xF410] =	vst v6  }
0x1d6: {  	v52 =	vadd.s32 $0x7800, v0;
	[tilespmem:s18+$0xF410] =	vst v3;
	v6 =	vld.idx.msk [tilespmem:v50+s2+$0x0], $0xffff  }
0x1d7: {  	v53 =	vadd.s32 $0x7800, v1;
	[tilespmem:s19+$0xF400] =	vst v5;
	v3 =	vld.idx.msk [tilespmem:v51+s2+$0x0], $0xffff  }
0x1d8: {  	v54 =	vadd.s32 $0x7800, v2;
	v5 =	vld.idx.msk [tilespmem:v17+s2+$0x0], $0xffff;
	[tilespmem:s17+$0xF400] =	vst v8  }
0x1d9: {  	v8 =	vld.idx.msk [tilespmem:v16+s2+$0x0], $0xffff;
	[tilespmem:s14+$0xF400] =	vst v11  }
0x1da: {  	[tilespmem:s13+$0xF810] =	vst v9;
	v11 =	vld.idx.msk [tilespmem:v60+s2+$0x0], $0xffff  }
0x1db: {  	v9 =	vld.idx.msk [tilespmem:v52+s2+$0x0], $0xffff;
	[tilespmem:s16+$0xF810] =	vst v6  }
0x1dc: {  	v55 =	vadd.s32 $0x7C00, v0;
	[tilespmem:s18+$0xF810] =	vst v3;
	v6 =	vld.idx.msk [tilespmem:v53+s2+$0x0], $0xffff  }
0x1dd: {  	v57 =	vadd.s32 $0x7C00, v1;
	[tilespmem:s19+$0xF800] =	vst v5;
	v3 =	vld.idx.msk [tilespmem:v54+s2+$0x0], $0xffff  }
0x1de: {  	v59 =	vadd.s32 $0x7C00, v2;
	v60 =	vld.idx.msk [tilespmem:v15+s2+$0x0], $0xffff;
	[tilespmem:s17+$0xF800] =	vst v8  }
0x1df: {  	v58 =	vld.idx.msk [tilespmem:v14+s2+$0x0], $0xffff;
	[tilespmem:s14+$0xF800] =	vst v11  }
0x1e0: {  	[tilespmem:s13+$0xFC10] =	vst v9;
	v56 =	vld.idx.msk [tilespmem:v37+s2+$0x0], $0xffff  }
0x1e1: {  	v0 =	vld.idx.msk [tilespmem:v55+s2+$0x0], $0xffff;
	[tilespmem:s16+$0xFC10] =	vst v6  }
0x1e2: {  	[tilespmem:s18+$0xFC10] =	vst v3;
	v1 =	vld.idx.msk [tilespmem:v57+s2+$0x0], $0xffff  }
0x1e3: {  	v2 =	vld.idx.msk [tilespmem:v59+s2+$0x0], $0xffff;
	[tilespmem:s19+$0xFC00] =	vst v60  }
0x1e4: {  	v63 =	vld.idx.msk [tilespmem:v13+s2+$0x0], $0xffff;
	[tilespmem:s17+$0xFC00] =	vst v58  }
0x1e5: {  	v62 =	vld.idx.msk [tilespmem:v12+s2+$0x0], $0xffff;
	[tilespmem:s14+$0xFC00] =	vst v56  }
0x1e6: {  	[tilespmem:s13+$0x10010] =	vst v0;
	v61 =	vld.idx.msk [tilespmem:v31+s2+$0x0], $0xffff  }
0x1e7: {  	[tilespmem:s16+$0x10010] =	vst v1  }
0x1e8: {  	[tilespmem:s18+$0x10010] =	vst v2  }
0x1e9: {  	s12 =	sadd.s32 $0x1, s12;
	[tilespmem:s19+$0x10000] =	vst v63  }
0x1ea: {  	p0 =	sne.s32 s12, s7;
	[tilespmem:s17+$0x10000] =	vst v62  }
.Ltmp1:
0x1eb: {  	[tilespmem:s14+$0x10000] =	vst v61;
	(pc) =	sbr.rel @p0 .LBB2_1-.Ltmp1, $4  }
0x1ec: {  	[hbm4b:s6+s2] =	stream.linear.scatter [tilespmem:s10], [sflag:$0x3], $0x8000, $0x38;
	[tilespmem:$0x10400] =	vst v63  }
0x1ed: {  	_ =	swait.ge [sflag:s11], $0x8000  }
0x1ee: {  	[sflag:s11] =	ssyncset.done $0x0  }
0x1ef: {  	[sflag:s11] =	ssyncadd.s32 $0xFFFF8000  }
0x1f0: {  	_ =	sfence.sel $0x180000  }
0x1f1: {  	[bflag:$0x0] =	sbarrier.arrive $0xFFFF  }
0x1f2: {  	p0 =	sne.s32 s0, $0x0;
	_ =	strace $0x90000047  }
0x1f3: {  	s0 =	sadd.s32 @!p0 $0x100000, s1;
	[bflag:$0x2] =	sbarrier.arrive $0xFFFF  }
0x1f4: {  	[sflag:s0] =	ssyncadd.tile.s32 @!p0 $0x1;
	_ =	shalt  }
.Lfunc_end2:
_tile_overlayer_lowered:
.L_overlay_start_2:
0x1f5: {  	(tag) =	ssettag $0x2  }
0x1f6: {  	s0 =	rddreg [dreg:$0x0];
	s2 =	stileid.u32  }
0x1f7: {  	s1 =	rddreg [dreg:$0x1];
	p0 =	sne.s32 s2, $0x0  }
0x1f8: {  	s3 =	rddreg [dreg:$0x2];
	[bflag:$0x3] =	sbarrier.arrive $0xFFFF;
	s2 =	simm.s32 @!p0 $0x1C03  }
0x1f9: {  	[timem:s3], [sflag:s2] =	dma.local @!p0 [hbm:s0], s1  }
0x1fa: {  	s0 =	simm.s32 @!p0 $0x3  }
0x1fb: {  	_ =	swait.ge @!p0 [sflag:s0], s1  }
0x1fc: {  	s1 =	ssub.s32 @!p0 $0x0, s1;
	[sflag:s0] =	ssyncset.done @!p0 $0x0  }
0x1fd: {  	[sflag:s0] =	ssyncadd.s32 @!p0 s1  }
0x1fe: {  	[bflag:$0x3] =	sbarrier.arrive $0xFFFF  }
0x1ff: {  	_ =	shalt  }

</sc_bundles>
